<compile_context>
chip_gen: v7x
topology: tpu7x:2x2x1
jax: 0.10.2.dev20260603
libtpu: 0.0.44.dev20260713+nightly
codegen_flags: <defaults>
</compile_context>

<pallas_src>
import functools

import jax
import jax.numpy as jnp
from jax import lax
from jax.experimental import pallas as pl
from jax.experimental.pallas import tpu as pltpu
from jax.experimental.pallas import tpu_sc as plsc

_NSAMPLE = 32
_MB = 256
_D_PAD = 128
_CD = 96

_NC = 2
_NS = 16
_NW = _NC * _NS
_ROW_W = 128
_CHUNK = 512


def _topk_body(q_ref, kt_ref, idx_ref, d_ref):
    q = q_ref[0]
    kt = kt_ref[0]
    inner = jnp.dot(q, kt, preferred_element_type=jnp.float32)
    ksq = kt * kt
    kk = ksq[0:1, :]
    for i in range(1, _CD):
        kk = kk + ksq[i:i + 1, :]
    qsq = q * q
    qq = qsq[:, 0:1]
    for i in range(1, _CD):
        qq = qq + qsq[:, i:i + 1]
    d_ref[...] = (qq - 2.0 * inner) + kk

    mb, n = inner.shape
    iota = lax.broadcasted_iota(jnp.int32, (mb, n), 1)
    kiota = lax.broadcasted_iota(jnp.int32, (mb, _NSAMPLE), 1)

    def body(j, idxacc):
        d = d_ref[...]
        v = jnp.min(d, axis=1, keepdims=True)
        am = jnp.min(jnp.where(d <= v, iota, n), axis=1,
                     keepdims=True)
        d_ref[...] = jnp.where(iota == am, jnp.inf, d)
        return jnp.where(kiota == j, am, idxacc)

    idx_ref[0] = lax.fori_loop(
        0, _NSAMPLE, body, jnp.zeros((mb, _NSAMPLE), jnp.int32))


def _knn_topk(q_pad, kt):
    b, n, _ = q_pad.shape
    grid = (b, n // _MB)
    return pl.pallas_call(
        _topk_body,
        grid=grid,
        in_specs=[
            pl.BlockSpec((1, _MB, _D_PAD), lambda bi, i: (bi, i, 0)),
            pl.BlockSpec((1, _D_PAD, n), lambda bi, i: (bi, 0, 0)),
        ],
        out_specs=pl.BlockSpec((1, _MB, _NSAMPLE), lambda bi, i: (bi, i, 0)),
        out_shape=jax.ShapeDtypeStruct((b, n, _NSAMPLE), jnp.int32),
        scratch_shapes=[pltpu.VMEM((_MB, n), jnp.float32)],
    )(q_pad, kt)


def _gather_tec(table_hbm, gidx_hbm, out_hbm, idx_v, rows_v, sem):
    wid = lax.axis_index("s") * _NC + lax.axis_index("c")
    rows_total = gidx_hbm.shape[0]
    per_w = rows_total // _NW
    base = wid * per_w

    def chunk(i, _):
        b0 = base + i * _CHUNK
        pltpu.sync_copy(gidx_hbm.at[pl.ds(b0, _CHUNK)], idx_v)
        pltpu.async_copy(table_hbm.at[idx_v], rows_v, sem).wait()
        pltpu.sync_copy(rows_v, out_hbm.at[pl.ds(b0, _CHUNK)])
        return 0

    lax.fori_loop(0, per_w // _CHUNK, chunk, 0)


def _sc_gather(table, gidx):
    rows_total = gidx.shape[0]
    mesh = plsc.VectorSubcoreMesh(core_axis_name="c", subcore_axis_name="s")
    k = pl.kernel(
        _gather_tec,
        out_type=jax.ShapeDtypeStruct((rows_total, _ROW_W), jnp.float32),
        mesh=mesh,
        scratch_types=[
            pltpu.VMEM((_CHUNK,), jnp.int32),
            pltpu.VMEM((_CHUNK, _ROW_W), jnp.float32),
            pltpu.SemaphoreType.DMA,
        ],
    )
    return k(table, gidx)


def kernel(points_xyz, points_fts):
    b, c, _, n = points_fts.shape
    cd = c * 3

    keys = jnp.transpose(points_fts.reshape(b, cd, n), (0, 2, 1))
    kmat = jnp.concatenate(
        [keys, jnp.zeros((b, n, _D_PAD - cd), jnp.float32)], axis=-1)
    qt = jnp.transpose(kmat, (0, 2, 1))

    idx = _knn_topk(kmat, qt)

    xyz_pad = jnp.concatenate(
        [points_xyz, jnp.zeros((b, n, _ROW_W - cd - 3), jnp.float32)], axis=-1)
    table = jnp.concatenate([keys, xyz_pad], axis=-1).reshape(b * n, _ROW_W)

    gidx = (idx + (jnp.arange(b, dtype=jnp.int32) * n)[:, None, None])
    big = _sc_gather(table, gidx.reshape(-1))
    big = big.reshape(b, n, _NSAMPLE, _ROW_W)

    group_fts = jnp.transpose(big[..., :cd], (0, 3, 1, 2)).reshape(
        b, c, 3, n, _NSAMPLE)
    group_xyz = big[..., cd:cd + 3]
    new_fts_out = group_fts[..., 0:1]
    return (group_xyz, group_fts, points_xyz, new_fts_out)

# --- scband reference (transcript-rebuilt; emitter-appended) ---
"""Pipeline reference for scband-get-local-area-new-66743791780162 (READ-ONLY COPY).

The authoritative reference and input builder live on the scoring server;
editing this copy changes nothing except your own understanding.
"""

import jax, jax.numpy as jnp
import numpy as np

NPOINT = 4096
NSAMPLE = 32

def setup_inputs(seed: int = 0) -> dict:
    key = jax.random.key(seed)
    k1, k2 = jax.random.split(key)
    points_xyz = jax.random.normal(k1, (4, 4096, 3), dtype=jnp.float32)
    points_fts = jax.random.normal(k2, (4, 32, 3, 4096), dtype=jnp.float32)
    return {"points_xyz": points_xyz, "points_fts": points_fts}


def _knn_idx(q, kpts, k):
    # q: (b, m, d), kpts: (b, n, d); squared euclidean distance
    inner = jnp.einsum('bmd,bnd->bmn', q, kpts)
    qq = jnp.sum(q * q, axis=-1, keepdims=True)
    kk = jnp.sum(kpts * kpts, axis=-1)[:, None, :]
    dist = qq - 2.0 * inner + kk
    _, idx = jax.lax.top_k(-dist, k)
    return idx  # (b, m, k)


def reference(points_xyz, points_fts):
    # group_type='knn', query='fts', source='origin', npoint == n (no FPS branch)
    b, c, _, n = points_fts.shape
    nsample = NSAMPLE
    new_xyz = points_xyz
    new_fts = points_fts
    # knn in feature space (dim = c*3), faithful to get_graph_feature_xyz_new(points_xyz, points_fts, new_fts, nsample, 'fts')
    q = jnp.transpose(new_fts.reshape(b, c * 3, n), (0, 2, 1))      # (b, m, c*3)
    keys = jnp.transpose(points_fts.reshape(b, c * 3, n), (0, 2, 1))  # (b, n, c*3)
    idx = _knn_idx(q, keys, nsample)                                  # (b, m, k)
    # gather neighbor coordinates: (b, m, k, 3)
    group_xyz = jax.vmap(lambda x, i: x[i])(points_xyz, idx)
    # gather neighbor features: (b, c, 3, m, k)
    group_fts = jax.vmap(lambda f, i: f[:, :, i])(points_fts, idx)
    new_fts_out = group_fts[..., 0:1]
    return (group_xyz, group_fts, new_xyz, new_fts_out)

if __name__ == "__main__":
    import jax
    _d = setup_inputs()
    print(jax.jit(kernel)(*tuple(_d.values())))

</pallas_src>

<mosaic_0001>
#map = affine_map<(d0, d1) -> (0, 0)>
#map1 = affine_map<(d0, d1) -> (0)>
module attributes {stable_mosaic.version = 14 : i64} {
  func.func @_gather_tec(%arg0: i32, %arg1: i32, %arg2: memref<16384x128xf32, #tpu.memory_space<hbm>>, %arg3: memref<524288xi32, #tpu.memory_space<hbm>>, %arg4: memref<524288x128xf32, #tpu.memory_space<hbm>>, %arg5: memref<512xi32, #tpu.memory_space<vmem>>, %arg6: memref<512x128xf32, #tpu.memory_space<vmem>>, %arg7: memref<!tpu.dma_semaphore, #tpu.memory_space<semaphore_mem>>) attributes {dimension_semantics = [#tpu.dimension_semantics<core_parallel>, #tpu.dimension_semantics<subcore_parallel>], iteration_bounds = array<i64: 2, 16>, scalar_prefetch = 0 : i64, scratch_operands = 3 : i64, tpu.core_type = #tpu.core_type<sc_vector_subcore>, window_params = [{transform_indices = #map}, {transform_indices = #map1}, {transform_indices = #map}]} {
    %mul3A = arith.constant 2 : i32
    %mul3A_0 = arith.muli %arg1, %mul3A : i32
    %add3A = arith.addi %mul3A_0, %arg0 : i32
    %mul3A_1 = arith.constant 16384 : i32
    %mul3A_2 = arith.muli %add3A, %mul3A_1 : i32
    %scan3A = arith.constant 0 : i32
    %scan3A_3 = arith.constant 0 : i32
    %scan3A_4 = arith.constant 32 : i32
    %scan3A_5 = arith.addi %scan3A_3, %scan3A_4 : i32
    %scan3A_6 = arith.constant 1 : i32
    %scan3A_7 = scf.for %scan3A_9 = %scan3A_3 to %scan3A_5 step %scan3A_6 iter_args(%scan3A_10 = %scan3A) -> (i32)  : i32 {
      %mul3A_11 = arith.constant 512 : i32
      %mul3A_12 = arith.muli %scan3A_9, %mul3A_11 : i32
      %add3A_13 = arith.addi %mul3A_2, %mul3A_12 : i32
      "tpu.region"() ({
        %run_scoped3A = tpu.sem_alloc : memref<!tpu.dma_semaphore, #tpu.memory_space<semaphore_mem>>
        %dma_start3A_19 = tpu.memref_slice %arg3[%add3A_13] : memref<524288xi32, #tpu.memory_space<hbm>> -> memref<512xi32, #tpu.memory_space<hbm>>
        %dma_start3A_20 = tpu.memref_slice %arg3[%add3A_13] : memref<524288xi32, #tpu.memory_space<hbm>> -> memref<512xi32, #tpu.memory_space<hbm>>
        tpu.enqueue_dma source(%dma_start3A_20 : memref<512xi32, #tpu.memory_space<hbm>>) target(%arg5 : memref<512xi32, #tpu.memory_space<vmem>>) target_semaphore(%run_scoped3A : memref<!tpu.dma_semaphore, #tpu.memory_space<semaphore_mem>>)
        %dma_wait3A_21 = tpu.memref_slice %arg3[%add3A_13] : memref<524288xi32, #tpu.memory_space<hbm>> -> memref<512xi32, #tpu.memory_space<hbm>>
        %dma_wait3A_22 = tpu.memref_slice %arg3[%add3A_13] : memref<524288xi32, #tpu.memory_space<hbm>> -> memref<512xi32, #tpu.memory_space<hbm>>
        tpu.wait_dma2 semaphore(%run_scoped3A : memref<!tpu.dma_semaphore, #tpu.memory_space<semaphore_mem>>) src(%dma_wait3A_22 : memref<512xi32, #tpu.memory_space<hbm>>) dst(%arg5 : memref<512xi32, #tpu.memory_space<vmem>>)
        tpu.yield
      }) : () -> ()
      %dma_start3A = arith.constant 0 : i32
      %dma_start3A_14 = arith.constant 0 : i32
      %dma_start3A_15 = tpu.memref_slice %arg2[%dma_start3A, %dma_start3A_14] : memref<16384x128xf32, #tpu.memory_space<hbm>> -> memref<16384x128xf32, #tpu.memory_space<hbm>>
      tpu.enqueue_indirect_dma source(%dma_start3A_15 : memref<16384x128xf32, #tpu.memory_space<hbm>>) target(%arg6 : memref<512x128xf32, #tpu.memory_space<vmem>>) offsets(%arg5 : memref<512xi32, #tpu.memory_space<vmem>>) semaphore(%arg7 : memref<!tpu.dma_semaphore, #tpu.memory_space<semaphore_mem>>)
      %dma_wait3A = arith.constant 0 : i32
      %dma_wait3A_16 = arith.constant 0 : i32
      %dma_wait3A_17 = tpu.memref_slice %arg2[%dma_wait3A, %dma_wait3A_16] : memref<16384x128xf32, #tpu.memory_space<hbm>> -> memref<16384x128xf32, #tpu.memory_space<hbm>>
      tpu.wait_indirect_dma semaphore(%arg7 : memref<!tpu.dma_semaphore, #tpu.memory_space<semaphore_mem>>) src(%dma_wait3A_17 : memref<16384x128xf32, #tpu.memory_space<hbm>>) dst(%arg6 : memref<512x128xf32, #tpu.memory_space<vmem>>)
      "tpu.region"() ({
        %run_scoped3A = tpu.sem_alloc : memref<!tpu.dma_semaphore, #tpu.memory_space<semaphore_mem>>
        %dma_start3A_19 = arith.constant 0 : i32
        %dma_start3A_20 = tpu.memref_slice %arg4[%add3A_13, %dma_start3A_19] : memref<524288x128xf32, #tpu.memory_space<hbm>> -> memref<512x128xf32, #tpu.memory_space<hbm>>
        %dma_start3A_21 = arith.constant 0 : i32
        %dma_start3A_22 = tpu.memref_slice %arg4[%add3A_13, %dma_start3A_21] : memref<524288x128xf32, #tpu.memory_space<hbm>> -> memref<512x128xf32, #tpu.memory_space<hbm>>
        tpu.enqueue_dma source(%arg6 : memref<512x128xf32, #tpu.memory_space<vmem>>) target(%dma_start3A_22 : memref<512x128xf32, #tpu.memory_space<hbm>>) target_semaphore(%run_scoped3A : memref<!tpu.dma_semaphore, #tpu.memory_space<semaphore_mem>>)
        %dma_wait3A_23 = arith.constant 0 : i32
        %dma_wait3A_24 = tpu.memref_slice %arg4[%add3A_13, %dma_wait3A_23] : memref<524288x128xf32, #tpu.memory_space<hbm>> -> memref<512x128xf32, #tpu.memory_space<hbm>>
        %dma_wait3A_25 = arith.constant 0 : i32
        %dma_wait3A_26 = tpu.memref_slice %arg4[%add3A_13, %dma_wait3A_25] : memref<524288x128xf32, #tpu.memory_space<hbm>> -> memref<512x128xf32, #tpu.memory_space<hbm>>
        tpu.wait_dma2 semaphore(%run_scoped3A : memref<!tpu.dma_semaphore, #tpu.memory_space<semaphore_mem>>) src(%arg6 : memref<512x128xf32, #tpu.memory_space<vmem>>) dst(%dma_wait3A_26 : memref<512x128xf32, #tpu.memory_space<hbm>>)
        tpu.yield
      }) : () -> ()
      %scan3A_18 = arith.constant 0 : i32
      scf.yield %scan3A_18 : i32
    }
    %scan3A_8 = arith.constant 32 : i32
    return
  }
}

module attributes {stable_mosaic.version = 14 : i64} {
  func.func @_topk_body(%arg0: i32, %arg1: i32, %arg2: memref<1x256x128xf32, #tpu.memory_space<vmem>>, %arg3: memref<1x128x4096xf32, #tpu.memory_space<vmem>>, %arg4: memref<1x256x32xi32, #tpu.memory_space<vmem>>, %arg5: memref<256x4096xf32, #tpu.memory_space<vmem>>) attributes {dimension_semantics = [#tpu.dimension_semantics<arbitrary>, #tpu.dimension_semantics<arbitrary>], iteration_bounds = array<i64: 4, 16>, scalar_prefetch = 0 : i64, scratch_operands = 1 : i64, tpu.core_type = #tpu.core_type<tc>, window_params = [{transform_indices = @transform_0, window_bounds = array<i64: 1, 256, 128>}, {transform_indices = @transform_1, window_bounds = array<i64: 1, 128, 4096>}, {transform_indices = @transform_2, window_bounds = array<i64: 1, 256, 32>}]} {
    %get3A = arith.constant 0 : index
    %get3A_0 = arith.constant 0 : index
    %get3A_1 = arith.constant 0 : index
    %get3A_2 = vector.load %arg2[%get3A, %get3A_0, %get3A_1] : memref<1x256x128xf32, #tpu.memory_space<vmem>>, vector<1x256x128xf32>
    %get3A_3 = vector.shape_cast %get3A_2 : vector<1x256x128xf32> to vector<256x128xf32>
    %get3A_4 = arith.constant 0 : index
    %get3A_5 = arith.constant 0 : index
    %get3A_6 = arith.constant 0 : index
    %get3A_7 = vector.load %arg3[%get3A_4, %get3A_5, %get3A_6] : memref<1x128x4096xf32, #tpu.memory_space<vmem>>, vector<1x128x4096xf32>
    %get3A_8 = vector.shape_cast %get3A_7 : vector<1x128x4096xf32> to vector<128x4096xf32>
    %dot_general3A = arith.constant dense<0.000000e+00> : vector<256x4096xf32>
    %dot_general3A_9 = tpu.matmul %get3A_3, %get3A_8, %dot_general3A {dimension_numbers = #tpu.dot_dimension_numbers<[1], [0], [0], [1], [0, 0, 1, 1], [], []>, transpose_lhs_hint = false} : vector<256x128xf32>, vector<128x4096xf32>, vector<256x4096xf32> -> vector<256x4096xf32>
    %mul3A = arith.mulf %get3A_8, %get3A_8 : vector<128x4096xf32>
    %slice3A = vector.extract_strided_slice %mul3A {offsets = [0, 0], sizes = [1, 4096], strides = [1, 1]} : vector<128x4096xf32> to vector<1x4096xf32>
    %slice3A_10 = vector.extract_strided_slice %mul3A {offsets = [1, 0], sizes = [1, 4096], strides = [1, 1]} : vector<128x4096xf32> to vector<1x4096xf32>
    %add3A = arith.addf %slice3A, %slice3A_10 : vector<1x4096xf32>
    %slice3A_11 = vector.extract_strided_slice %mul3A {offsets = [2, 0], sizes = [1, 4096], strides = [1, 1]} : vector<128x4096xf32> to vector<1x4096xf32>
    %add3A_12 = arith.addf %add3A, %slice3A_11 : vector<1x4096xf32>
    %slice3A_13 = vector.extract_strided_slice %mul3A {offsets = [3, 0], sizes = [1, 4096], strides = [1, 1]} : vector<128x4096xf32> to vector<1x4096xf32>
    %add3A_14 = arith.addf %add3A_12, %slice3A_13 : vector<1x4096xf32>
    %slice3A_15 = vector.extract_strided_slice %mul3A {offsets = [4, 0], sizes = [1, 4096], strides = [1, 1]} : vector<128x4096xf32> to vector<1x4096xf32>
    %add3A_16 = arith.addf %add3A_14, %slice3A_15 : vector<1x4096xf32>
    %slice3A_17 = vector.extract_strided_slice %mul3A {offsets = [5, 0], sizes = [1, 4096], strides = [1, 1]} : vector<128x4096xf32> to vector<1x4096xf32>
    %add3A_18 = arith.addf %add3A_16, %slice3A_17 : vector<1x4096xf32>
    %slice3A_19 = vector.extract_strided_slice %mul3A {offsets = [6, 0], sizes = [1, 4096], strides = [1, 1]} : vector<128x4096xf32> to vector<1x4096xf32>
    %add3A_20 = arith.addf %add3A_18, %slice3A_19 : vector<1x4096xf32>
    %slice3A_21 = vector.extract_strided_slice %mul3A {offsets = [7, 0], sizes = [1, 4096], strides = [1, 1]} : vector<128x4096xf32> to vector<1x4096xf32>
    %add3A_22 = arith.addf %add3A_20, %slice3A_21 : vector<1x4096xf32>
    %slice3A_23 = vector.extract_strided_slice %mul3A {offsets = [8, 0], sizes = [1, 4096], strides = [1, 1]} : vector<128x4096xf32> to vector<1x4096xf32>
    %add3A_24 = arith.addf %add3A_22, %slice3A_23 : vector<1x4096xf32>
    %slice3A_25 = vector.extract_strided_slice %mul3A {offsets = [9, 0], sizes = [1, 4096], strides = [1, 1]} : vector<128x4096xf32> to vector<1x4096xf32>
    %add3A_26 = arith.addf %add3A_24, %slice3A_25 : vector<1x4096xf32>
    %slice3A_27 = vector.extract_strided_slice %mul3A {offsets = [10, 0], sizes = [1, 4096], strides = [1, 1]} : vector<128x4096xf32> to vector<1x4096xf32>
    %add3A_28 = arith.addf %add3A_26, %slice3A_27 : vector<1x4096xf32>
    %slice3A_29 = vector.extract_strided_slice %mul3A {offsets = [11, 0], sizes = [1, 4096], strides = [1, 1]} : vector<128x4096xf32> to vector<1x4096xf32>
    %add3A_30 = arith.addf %add3A_28, %slice3A_29 : vector<1x4096xf32>
    %slice3A_31 = vector.extract_strided_slice %mul3A {offsets = [12, 0], sizes = [1, 4096], strides = [1, 1]} : vector<128x4096xf32> to vector<1x4096xf32>
    %add3A_32 = arith.addf %add3A_30, %slice3A_31 : vector<1x4096xf32>
    %slice3A_33 = vector.extract_strided_slice %mul3A {offsets = [13, 0], sizes = [1, 4096], strides = [1, 1]} : vector<128x4096xf32> to vector<1x4096xf32>
    %add3A_34 = arith.addf %add3A_32, %slice3A_33 : vector<1x4096xf32>
    %slice3A_35 = vector.extract_strided_slice %mul3A {offsets = [14, 0], sizes = [1, 4096], strides = [1, 1]} : vector<128x4096xf32> to vector<1x4096xf32>
    %add3A_36 = arith.addf %add3A_34, %slice3A_35 : vector<1x4096xf32>
    %slice3A_37 = vector.extract_strided_slice %mul3A {offsets = [15, 0], sizes = [1, 4096], strides = [1, 1]} : vector<128x4096xf32> to vector<1x4096xf32>
    %add3A_38 = arith.addf %add3A_36, %slice3A_37 : vector<1x4096xf32>
    %slice3A_39 = vector.extract_strided_slice %mul3A {offsets = [16, 0], sizes = [1, 4096], strides = [1, 1]} : vector<128x4096xf32> to vector<1x4096xf32>
    %add3A_40 = arith.addf %add3A_38, %slice3A_39 : vector<1x4096xf32>
    %slice3A_41 = vector.extract_strided_slice %mul3A {offsets = [17, 0], sizes = [1, 4096], strides = [1, 1]} : vector<128x4096xf32> to vector<1x4096xf32>
    %add3A_42 = arith.addf %add3A_40, %slice3A_41 : vector<1x4096xf32>
    %slice3A_43 = vector.extract_strided_slice %mul3A {offsets = [18, 0], sizes = [1, 4096], strides = [1, 1]} : vector<128x4096xf32> to vector<1x4096xf32>
    %add3A_44 = arith.addf %add3A_42, %slice3A_43 : vector<1x4096xf32>
    %slice3A_45 = vector.extract_strided_slice %mul3A {offsets = [19, 0], sizes = [1, 4096], strides = [1, 1]} : vector<128x4096xf32> to vector<1x4096xf32>
    %add3A_46 = arith.addf %add3A_44, %slice3A_45 : vector<1x4096xf32>
    %slice3A_47 = vector.extract_strided_slice %mul3A {offsets = [20, 0], sizes = [1, 4096], strides = [1, 1]} : vector<128x4096xf32> to vector<1x4096xf32>
    %add3A_48 = arith.addf %add3A_46, %slice3A_47 : vector<1x4096xf32>
    %slice3A_49 = vector.extract_strided_slice %mul3A {offsets = [21, 0], sizes = [1, 4096], strides = [1, 1]} : vector<128x4096xf32> to vector<1x4096xf32>
    %add3A_50 = arith.addf %add3A_48, %slice3A_49 : vector<1x4096xf32>
    %slice3A_51 = vector.extract_strided_slice %mul3A {offsets = [22, 0], sizes = [1, 4096], strides = [1, 1]} : vector<128x4096xf32> to vector<1x4096xf32>
    %add3A_52 = arith.addf %add3A_50, %slice3A_51 : vector<1x4096xf32>
    %slice3A_53 = vector.extract_strided_slice %mul3A {offsets = [23, 0], sizes = [1, 4096], strides = [1, 1]} : vector<128x4096xf32> to vector<1x4096xf32>
    %add3A_54 = arith.addf %add3A_52, %slice3A_53 : vector<1x4096xf32>
    %slice3A_55 = vector.extract_strided_slice %mul3A {offsets = [24, 0], sizes = [1, 4096], strides = [1, 1]} : vector<128x4096xf32> to vector<1x4096xf32>
    %add3A_56 = arith.addf %add3A_54, %slice3A_55 : vector<1x4096xf32>
    %slice3A_57 = vector.extract_strided_slice %mul3A {offsets = [25, 0], sizes = [1, 4096], strides = [1, 1]} : vector<128x4096xf32> to vector<1x4096xf32>
    %add3A_58 = arith.addf %add3A_56, %slice3A_57 : vector<1x4096xf32>
    %slice3A_59 = vector.extract_strided_slice %mul3A {offsets = [26, 0], sizes = [1, 4096], strides = [1, 1]} : vector<128x4096xf32> to vector<1x4096xf32>
    %add3A_60 = arith.addf %add3A_58, %slice3A_59 : vector<1x4096xf32>
    %slice3A_61 = vector.extract_strided_slice %mul3A {offsets = [27, 0], sizes = [1, 4096], strides = [1, 1]} : vector<128x4096xf32> to vector<1x4096xf32>
    %add3A_62 = arith.addf %add3A_60, %slice3A_61 : vector<1x4096xf32>
    %slice3A_63 = vector.extract_strided_slice %mul3A {offsets = [28, 0], sizes = [1, 4096], strides = [1, 1]} : vector<128x4096xf32> to vector<1x4096xf32>
    %add3A_64 = arith.addf %add3A_62, %slice3A_63 : vector<1x4096xf32>
    %slice3A_65 = vector.extract_strided_slice %mul3A {offsets = [29, 0], sizes = [1, 4096], strides = [1, 1]} : vector<128x4096xf32> to vector<1x4096xf32>
    %add3A_66 = arith.addf %add3A_64, %slice3A_65 : vector<1x4096xf32>
    %slice3A_67 = vector.extract_strided_slice %mul3A {offsets = [30, 0], sizes = [1, 4096], strides = [1, 1]} : vector<128x4096xf32> to vector<1x4096xf32>
    %add3A_68 = arith.addf %add3A_66, %slice3A_67 : vector<1x4096xf32>
    %slice3A_69 = vector.extract_strided_slice %mul3A {offsets = [31, 0], sizes = [1, 4096], strides = [1, 1]} : vector<128x4096xf32> to vector<1x4096xf32>
    %add3A_70 = arith.addf %add3A_68, %slice3A_69 : vector<1x4096xf32>
    %slice3A_71 = vector.extract_strided_slice %mul3A {offsets = [32, 0], sizes = [1, 4096], strides = [1, 1]} : vector<128x4096xf32> to vector<1x4096xf32>
    %add3A_72 = arith.addf %add3A_70, %slice3A_71 : vector<1x4096xf32>
    %slice3A_73 = vector.extract_strided_slice %mul3A {offsets = [33, 0], sizes = [1, 4096], strides = [1, 1]} : vector<128x4096xf32> to vector<1x4096xf32>
    %add3A_74 = arith.addf %add3A_72, %slice3A_73 : vector<1x4096xf32>
    %slice3A_75 = vector.extract_strided_slice %mul3A {offsets = [34, 0], sizes = [1, 4096], strides = [1, 1]} : vector<128x4096xf32> to vector<1x4096xf32>
    %add3A_76 = arith.addf %add3A_74, %slice3A_75 : vector<1x4096xf32>
    %slice3A_77 = vector.extract_strided_slice %mul3A {offsets = [35, 0], sizes = [1, 4096], strides = [1, 1]} : vector<128x4096xf32> to vector<1x4096xf32>
    %add3A_78 = arith.addf %add3A_76, %slice3A_77 : vector<1x4096xf32>
    %slice3A_79 = vector.extract_strided_slice %mul3A {offsets = [36, 0], sizes = [1, 4096], strides = [1, 1]} : vector<128x4096xf32> to vector<1x4096xf32>
    %add3A_80 = arith.addf %add3A_78, %slice3A_79 : vector<1x4096xf32>
    %slice3A_81 = vector.extract_strided_slice %mul3A {offsets = [37, 0], sizes = [1, 4096], strides = [1, 1]} : vector<128x4096xf32> to vector<1x4096xf32>
    %add3A_82 = arith.addf %add3A_80, %slice3A_81 : vector<1x4096xf32>
    %slice3A_83 = vector.extract_strided_slice %mul3A {offsets = [38, 0], sizes = [1, 4096], strides = [1, 1]} : vector<128x4096xf32> to vector<1x4096xf32>
    %add3A_84 = arith.addf %add3A_82, %slice3A_83 : vector<1x4096xf32>
    %slice3A_85 = vector.extract_strided_slice %mul3A {offsets = [39, 0], sizes = [1, 4096], strides = [1, 1]} : vector<128x4096xf32> to vector<1x4096xf32>
    %add3A_86 = arith.addf %add3A_84, %slice3A_85 : vector<1x4096xf32>
    %slice3A_87 = vector.extract_strided_slice %mul3A {offsets = [40, 0], sizes = [1, 4096], strides = [1, 1]} : vector<128x4096xf32> to vector<1x4096xf32>
    %add3A_88 = arith.addf %add3A_86, %slice3A_87 : vector<1x4096xf32>
    %slice3A_89 = vector.extract_strided_slice %mul3A {offsets = [41, 0], sizes = [1, 4096], strides = [1, 1]} : vector<128x4096xf32> to vector<1x4096xf32>
    %add3A_90 = arith.addf %add3A_88, %slice3A_89 : vector<1x4096xf32>
    %slice3A_91 = vector.extract_strided_slice %mul3A {offsets = [42, 0], sizes = [1, 4096], strides = [1, 1]} : vector<128x4096xf32> to vector<1x4096xf32>
    %add3A_92 = arith.addf %add3A_90, %slice3A_91 : vector<1x4096xf32>
    %slice3A_93 = vector.extract_strided_slice %mul3A {offsets = [43, 0], sizes = [1, 4096], strides = [1, 1]} : vector<128x4096xf32> to vector<1x4096xf32>
    %add3A_94 = arith.addf %add3A_92, %slice3A_93 : vector<1x4096xf32>
    %slice3A_95 = vector.extract_strided_slice %mul3A {offsets = [44, 0], sizes = [1, 4096], strides = [1, 1]} : vector<128x4096xf32> to vector<1x4096xf32>
    %add3A_96 = arith.addf %add3A_94, %slice3A_95 : vector<1x4096xf32>
    %slice3A_97 = vector.extract_strided_slice %mul3A {offsets = [45, 0], sizes = [1, 4096], strides = [1, 1]} : vector<128x4096xf32> to vector<1x4096xf32>
    %add3A_98 = arith.addf %add3A_96, %slice3A_97 : vector<1x4096xf32>
    %slice3A_99 = vector.extract_strided_slice %mul3A {offsets = [46, 0], sizes = [1, 4096], strides = [1, 1]} : vector<128x4096xf32> to vector<1x4096xf32>
    %add3A_100 = arith.addf %add3A_98, %slice3A_99 : vector<1x4096xf32>
    %slice3A_101 = vector.extract_strided_slice %mul3A {offsets = [47, 0], sizes = [1, 4096], strides = [1, 1]} : vector<128x4096xf32> to vector<1x4096xf32>
    %add3A_102 = arith.addf %add3A_100, %slice3A_101 : vector<1x4096xf32>
    %slice3A_103 = vector.extract_strided_slice %mul3A {offsets = [48, 0], sizes = [1, 4096], strides = [1, 1]} : vector<128x4096xf32> to vector<1x4096xf32>
    %add3A_104 = arith.addf %add3A_102, %slice3A_103 : vector<1x4096xf32>
    %slice3A_105 = vector.extract_strided_slice %mul3A {offsets = [49, 0], sizes = [1, 4096], strides = [1, 1]} : vector<128x4096xf32> to vector<1x4096xf32>
    %add3A_106 = arith.addf %add3A_104, %slice3A_105 : vector<1x4096xf32>
    %slice3A_107 = vector.extract_strided_slice %mul3A {offsets = [50, 0], sizes = [1, 4096], strides = [1, 1]} : vector<128x4096xf32> to vector<1x4096xf32>
    %add3A_108 = arith.addf %add3A_106, %slice3A_107 : vector<1x4096xf32>
    %slice3A_109 = vector.extract_strided_slice %mul3A {offsets = [51, 0], sizes = [1, 4096], strides = [1, 1]} : vector<128x4096xf32> to vector<1x4096xf32>
    %add3A_110 = arith.addf %add3A_108, %slice3A_109 : vector<1x4096xf32>
    %slice3A_111 = vector.extract_strided_slice %mul3A {offsets = [52, 0], sizes = [1, 4096], strides = [1, 1]} : vector<128x4096xf32> to vector<1x4096xf32>
    %add3A_112 = arith.addf %add3A_110, %slice3A_111 : vector<1x4096xf32>
    %slice3A_113 = vector.extract_strided_slice %mul3A {offsets = [53, 0], sizes = [1, 4096], strides = [1, 1]} : vector<128x4096xf32> to vector<1x4096xf32>
    %add3A_114 = arith.addf %add3A_112, %slice3A_113 : vector<1x4096xf32>
    %slice3A_115 = vector.extract_strided_slice %mul3A {offsets = [54, 0], sizes = [1, 4096], strides = [1, 1]} : vector<128x4096xf32> to vector<1x4096xf32>
    %add3A_116 = arith.addf %add3A_114, %slice3A_115 : vector<1x4096xf32>
    %slice3A_117 = vector.extract_strided_slice %mul3A {offsets = [55, 0], sizes = [1, 4096], strides = [1, 1]} : vector<128x4096xf32> to vector<1x4096xf32>
    %add3A_118 = arith.addf %add3A_116, %slice3A_117 : vector<1x4096xf32>
    %slice3A_119 = vector.extract_strided_slice %mul3A {offsets = [56, 0], sizes = [1, 4096], strides = [1, 1]} : vector<128x4096xf32> to vector<1x4096xf32>
    %add3A_120 = arith.addf %add3A_118, %slice3A_119 : vector<1x4096xf32>
    %slice3A_121 = vector.extract_strided_slice %mul3A {offsets = [57, 0], sizes = [1, 4096], strides = [1, 1]} : vector<128x4096xf32> to vector<1x4096xf32>
    %add3A_122 = arith.addf %add3A_120, %slice3A_121 : vector<1x4096xf32>
    %slice3A_123 = vector.extract_strided_slice %mul3A {offsets = [58, 0], sizes = [1, 4096], strides = [1, 1]} : vector<128x4096xf32> to vector<1x4096xf32>
    %add3A_124 = arith.addf %add3A_122, %slice3A_123 : vector<1x4096xf32>
    %slice3A_125 = vector.extract_strided_slice %mul3A {offsets = [59, 0], sizes = [1, 4096], strides = [1, 1]} : vector<128x4096xf32> to vector<1x4096xf32>
    %add3A_126 = arith.addf %add3A_124, %slice3A_125 : vector<1x4096xf32>
    %slice3A_127 = vector.extract_strided_slice %mul3A {offsets = [60, 0], sizes = [1, 4096], strides = [1, 1]} : vector<128x4096xf32> to vector<1x4096xf32>
    %add3A_128 = arith.addf %add3A_126, %slice3A_127 : vector<1x4096xf32>
    %slice3A_129 = vector.extract_strided_slice %mul3A {offsets = [61, 0], sizes = [1, 4096], strides = [1, 1]} : vector<128x4096xf32> to vector<1x4096xf32>
    %add3A_130 = arith.addf %add3A_128, %slice3A_129 : vector<1x4096xf32>
    %slice3A_131 = vector.extract_strided_slice %mul3A {offsets = [62, 0], sizes = [1, 4096], strides = [1, 1]} : vector<128x4096xf32> to vector<1x4096xf32>
    %add3A_132 = arith.addf %add3A_130, %slice3A_131 : vector<1x4096xf32>
    %slice3A_133 = vector.extract_strided_slice %mul3A {offsets = [63, 0], sizes = [1, 4096], strides = [1, 1]} : vector<128x4096xf32> to vector<1x4096xf32>
    %add3A_134 = arith.addf %add3A_132, %slice3A_133 : vector<1x4096xf32>
    %slice3A_135 = vector.extract_strided_slice %mul3A {offsets = [64, 0], sizes = [1, 4096], strides = [1, 1]} : vector<128x4096xf32> to vector<1x4096xf32>
    %add3A_136 = arith.addf %add3A_134, %slice3A_135 : vector<1x4096xf32>
    %slice3A_137 = vector.extract_strided_slice %mul3A {offsets = [65, 0], sizes = [1, 4096], strides = [1, 1]} : vector<128x4096xf32> to vector<1x4096xf32>
    %add3A_138 = arith.addf %add3A_136, %slice3A_137 : vector<1x4096xf32>
    %slice3A_139 = vector.extract_strided_slice %mul3A {offsets = [66, 0], sizes = [1, 4096], strides = [1, 1]} : vector<128x4096xf32> to vector<1x4096xf32>
    %add3A_140 = arith.addf %add3A_138, %slice3A_139 : vector<1x4096xf32>
    %slice3A_141 = vector.extract_strided_slice %mul3A {offsets = [67, 0], sizes = [1, 4096], strides = [1, 1]} : vector<128x4096xf32> to vector<1x4096xf32>
    %add3A_142 = arith.addf %add3A_140, %slice3A_141 : vector<1x4096xf32>
    %slice3A_143 = vector.extract_strided_slice %mul3A {offsets = [68, 0], sizes = [1, 4096], strides = [1, 1]} : vector<128x4096xf32> to vector<1x4096xf32>
    %add3A_144 = arith.addf %add3A_142, %slice3A_143 : vector<1x4096xf32>
    %slice3A_145 = vector.extract_strided_slice %mul3A {offsets = [69, 0], sizes = [1, 4096], strides = [1, 1]} : vector<128x4096xf32> to vector<1x4096xf32>
    %add3A_146 = arith.addf %add3A_144, %slice3A_145 : vector<1x4096xf32>
    %slice3A_147 = vector.extract_strided_slice %mul3A {offsets = [70, 0], sizes = [1, 4096], strides = [1, 1]} : vector<128x4096xf32> to vector<1x4096xf32>
    %add3A_148 = arith.addf %add3A_146, %slice3A_147 : vector<1x4096xf32>
    %slice3A_149 = vector.extract_strided_slice %mul3A {offsets = [71, 0], sizes = [1, 4096], strides = [1, 1]} : vector<128x4096xf32> to vector<1x4096xf32>
    %add3A_150 = arith.addf %add3A_148, %slice3A_149 : vector<1x4096xf32>
    %slice3A_151 = vector.extract_strided_slice %mul3A {offsets = [72, 0], sizes = [1, 4096], strides = [1, 1]} : vector<128x4096xf32> to vector<1x4096xf32>
    %add3A_152 = arith.addf %add3A_150, %slice3A_151 : vector<1x4096xf32>
    %slice3A_153 = vector.extract_strided_slice %mul3A {offsets = [73, 0], sizes = [1, 4096], strides = [1, 1]} : vector<128x4096xf32> to vector<1x4096xf32>
    %add3A_154 = arith.addf %add3A_152, %slice3A_153 : vector<1x4096xf32>
    %slice3A_155 = vector.extract_strided_slice %mul3A {offsets = [74, 0], sizes = [1, 4096], strides = [1, 1]} : vector<128x4096xf32> to vector<1x4096xf32>
    %add3A_156 = arith.addf %add3A_154, %slice3A_155 : vector<1x4096xf32>
    %slice3A_157 = vector.extract_strided_slice %mul3A {offsets = [75, 0], sizes = [1, 4096], strides = [1, 1]} : vector<128x4096xf32> to vector<1x4096xf32>
    %add3A_158 = arith.addf %add3A_156, %slice3A_157 : vector<1x4096xf32>
    %slice3A_159 = vector.extract_strided_slice %mul3A {offsets = [76, 0], sizes = [1, 4096], strides = [1, 1]} : vector<128x4096xf32> to vector<1x4096xf32>
    %add3A_160 = arith.addf %add3A_158, %slice3A_159 : vector<1x4096xf32>
    %slice3A_161 = vector.extract_strided_slice %mul3A {offsets = [77, 0], sizes = [1, 4096], strides = [1, 1]} : vector<128x4096xf32> to vector<1x4096xf32>
    %add3A_162 = arith.addf %add3A_160, %slice3A_161 : vector<1x4096xf32>
    %slice3A_163 = vector.extract_strided_slice %mul3A {offsets = [78, 0], sizes = [1, 4096], strides = [1, 1]} : vector<128x4096xf32> to vector<1x4096xf32>
    %add3A_164 = arith.addf %add3A_162, %slice3A_163 : vector<1x4096xf32>
    %slice3A_165 = vector.extract_strided_slice %mul3A {offsets = [79, 0], sizes = [1, 4096], strides = [1, 1]} : vector<128x4096xf32> to vector<1x4096xf32>
    %add3A_166 = arith.addf %add3A_164, %slice3A_165 : vector<1x4096xf32>
    %slice3A_167 = vector.extract_strided_slice %mul3A {offsets = [80, 0], sizes = [1, 4096], strides = [1, 1]} : vector<128x4096xf32> to vector<1x4096xf32>
    %add3A_168 = arith.addf %add3A_166, %slice3A_167 : vector<1x4096xf32>
    %slice3A_169 = vector.extract_strided_slice %mul3A {offsets = [81, 0], sizes = [1, 4096], strides = [1, 1]} : vector<128x4096xf32> to vector<1x4096xf32>
    %add3A_170 = arith.addf %add3A_168, %slice3A_169 : vector<1x4096xf32>
    %slice3A_171 = vector.extract_strided_slice %mul3A {offsets = [82, 0], sizes = [1, 4096], strides = [1, 1]} : vector<128x4096xf32> to vector<1x4096xf32>
    %add3A_172 = arith.addf %add3A_170, %slice3A_171 : vector<1x4096xf32>
    %slice3A_173 = vector.extract_strided_slice %mul3A {offsets = [83, 0], sizes = [1, 4096], strides = [1, 1]} : vector<128x4096xf32> to vector<1x4096xf32>
    %add3A_174 = arith.addf %add3A_172, %slice3A_173 : vector<1x4096xf32>
    %slice3A_175 = vector.extract_strided_slice %mul3A {offsets = [84, 0], sizes = [1, 4096], strides = [1, 1]} : vector<128x4096xf32> to vector<1x4096xf32>
    %add3A_176 = arith.addf %add3A_174, %slice3A_175 : vector<1x4096xf32>
    %slice3A_177 = vector.extract_strided_slice %mul3A {offsets = [85, 0], sizes = [1, 4096], strides = [1, 1]} : vector<128x4096xf32> to vector<1x4096xf32>
    %add3A_178 = arith.addf %add3A_176, %slice3A_177 : vector<1x4096xf32>
    %slice3A_179 = vector.extract_strided_slice %mul3A {offsets = [86, 0], sizes = [1, 4096], strides = [1, 1]} : vector<128x4096xf32> to vector<1x4096xf32>
    %add3A_180 = arith.addf %add3A_178, %slice3A_179 : vector<1x4096xf32>
    %slice3A_181 = vector.extract_strided_slice %mul3A {offsets = [87, 0], sizes = [1, 4096], strides = [1, 1]} : vector<128x4096xf32> to vector<1x4096xf32>
    %add3A_182 = arith.addf %add3A_180, %slice3A_181 : vector<1x4096xf32>
    %slice3A_183 = vector.extract_strided_slice %mul3A {offsets = [88, 0], sizes = [1, 4096], strides = [1, 1]} : vector<128x4096xf32> to vector<1x4096xf32>
    %add3A_184 = arith.addf %add3A_182, %slice3A_183 : vector<1x4096xf32>
    %slice3A_185 = vector.extract_strided_slice %mul3A {offsets = [89, 0], sizes = [1, 4096], strides = [1, 1]} : vector<128x4096xf32> to vector<1x4096xf32>
    %add3A_186 = arith.addf %add3A_184, %slice3A_185 : vector<1x4096xf32>
    %slice3A_187 = vector.extract_strided_slice %mul3A {offsets = [90, 0], sizes = [1, 4096], strides = [1, 1]} : vector<128x4096xf32> to vector<1x4096xf32>
    %add3A_188 = arith.addf %add3A_186, %slice3A_187 : vector<1x4096xf32>
    %slice3A_189 = vector.extract_strided_slice %mul3A {offsets = [91, 0], sizes = [1, 4096], strides = [1, 1]} : vector<128x4096xf32> to vector<1x4096xf32>
    %add3A_190 = arith.addf %add3A_188, %slice3A_189 : vector<1x4096xf32>
    %slice3A_191 = vector.extract_strided_slice %mul3A {offsets = [92, 0], sizes = [1, 4096], strides = [1, 1]} : vector<128x4096xf32> to vector<1x4096xf32>
    %add3A_192 = arith.addf %add3A_190, %slice3A_191 : vector<1x4096xf32>
    %slice3A_193 = vector.extract_strided_slice %mul3A {offsets = [93, 0], sizes = [1, 4096], strides = [1, 1]} : vector<128x4096xf32> to vector<1x4096xf32>
    %add3A_194 = arith.addf %add3A_192, %slice3A_193 : vector<1x4096xf32>
    %slice3A_195 = vector.extract_strided_slice %mul3A {offsets = [94, 0], sizes = [1, 4096], strides = [1, 1]} : vector<128x4096xf32> to vector<1x4096xf32>
    %add3A_196 = arith.addf %add3A_194, %slice3A_195 : vector<1x4096xf32>
    %slice3A_197 = vector.extract_strided_slice %mul3A {offsets = [95, 0], sizes = [1, 4096], strides = [1, 1]} : vector<128x4096xf32> to vector<1x4096xf32>
    %add3A_198 = arith.addf %add3A_196, %slice3A_197 : vector<1x4096xf32>
    %mul3A_199 = arith.mulf %get3A_3, %get3A_3 : vector<256x128xf32>
    %slice3A_200 = vector.extract_strided_slice %mul3A_199 {offsets = [0, 0], sizes = [256, 1], strides = [1, 1]} : vector<256x128xf32> to vector<256x1xf32>
    %slice3A_201 = vector.extract_strided_slice %mul3A_199 {offsets = [0, 1], sizes = [256, 1], strides = [1, 1]} : vector<256x128xf32> to vector<256x1xf32>
    %add3A_202 = arith.addf %slice3A_200, %slice3A_201 : vector<256x1xf32>
    %slice3A_203 = vector.extract_strided_slice %mul3A_199 {offsets = [0, 2], sizes = [256, 1], strides = [1, 1]} : vector<256x128xf32> to vector<256x1xf32>
    %add3A_204 = arith.addf %add3A_202, %slice3A_203 : vector<256x1xf32>
    %slice3A_205 = vector.extract_strided_slice %mul3A_199 {offsets = [0, 3], sizes = [256, 1], strides = [1, 1]} : vector<256x128xf32> to vector<256x1xf32>
    %add3A_206 = arith.addf %add3A_204, %slice3A_205 : vector<256x1xf32>
    %slice3A_207 = vector.extract_strided_slice %mul3A_199 {offsets = [0, 4], sizes = [256, 1], strides = [1, 1]} : vector<256x128xf32> to vector<256x1xf32>
    %add3A_208 = arith.addf %add3A_206, %slice3A_207 : vector<256x1xf32>
    %slice3A_209 = vector.extract_strided_slice %mul3A_199 {offsets = [0, 5], sizes = [256, 1], strides = [1, 1]} : vector<256x128xf32> to vector<256x1xf32>
    %add3A_210 = arith.addf %add3A_208, %slice3A_209 : vector<256x1xf32>
    %slice3A_211 = vector.extract_strided_slice %mul3A_199 {offsets = [0, 6], sizes = [256, 1], strides = [1, 1]} : vector<256x128xf32> to vector<256x1xf32>
    %add3A_212 = arith.addf %add3A_210, %slice3A_211 : vector<256x1xf32>
    %slice3A_213 = vector.extract_strided_slice %mul3A_199 {offsets = [0, 7], sizes = [256, 1], strides = [1, 1]} : vector<256x128xf32> to vector<256x1xf32>
    %add3A_214 = arith.addf %add3A_212, %slice3A_213 : vector<256x1xf32>
    %slice3A_215 = vector.extract_strided_slice %mul3A_199 {offsets = [0, 8], sizes = [256, 1], strides = [1, 1]} : vector<256x128xf32> to vector<256x1xf32>
    %add3A_216 = arith.addf %add3A_214, %slice3A_215 : vector<256x1xf32>
    %slice3A_217 = vector.extract_strided_slice %mul3A_199 {offsets = [0, 9], sizes = [256, 1], strides = [1, 1]} : vector<256x128xf32> to vector<256x1xf32>
    %add3A_218 = arith.addf %add3A_216, %slice3A_217 : vector<256x1xf32>
    %slice3A_219 = vector.extract_strided_slice %mul3A_199 {offsets = [0, 10], sizes = [256, 1], strides = [1, 1]} : vector<256x128xf32> to vector<256x1xf32>
    %add3A_220 = arith.addf %add3A_218, %slice3A_219 : vector<256x1xf32>
    %slice3A_221 = vector.extract_strided_slice %mul3A_199 {offsets = [0, 11], sizes = [256, 1], strides = [1, 1]} : vector<256x128xf32> to vector<256x1xf32>
    %add3A_222 = arith.addf %add3A_220, %slice3A_221 : vector<256x1xf32>
    %slice3A_223 = vector.extract_strided_slice %mul3A_199 {offsets = [0, 12], sizes = [256, 1], strides = [1, 1]} : vector<256x128xf32> to vector<256x1xf32>
    %add3A_224 = arith.addf %add3A_222, %slice3A_223 : vector<256x1xf32>
    %slice3A_225 = vector.extract_strided_slice %mul3A_199 {offsets = [0, 13], sizes = [256, 1], strides = [1, 1]} : vector<256x128xf32> to vector<256x1xf32>
    %add3A_226 = arith.addf %add3A_224, %slice3A_225 : vector<256x1xf32>
    %slice3A_227 = vector.extract_strided_slice %mul3A_199 {offsets = [0, 14], sizes = [256, 1], strides = [1, 1]} : vector<256x128xf32> to vector<256x1xf32>
    %add3A_228 = arith.addf %add3A_226, %slice3A_227 : vector<256x1xf32>
    %slice3A_229 = vector.extract_strided_slice %mul3A_199 {offsets = [0, 15], sizes = [256, 1], strides = [1, 1]} : vector<256x128xf32> to vector<256x1xf32>
    %add3A_230 = arith.addf %add3A_228, %slice3A_229 : vector<256x1xf32>
    %slice3A_231 = vector.extract_strided_slice %mul3A_199 {offsets = [0, 16], sizes = [256, 1], strides = [1, 1]} : vector<256x128xf32> to vector<256x1xf32>
    %add3A_232 = arith.addf %add3A_230, %slice3A_231 : vector<256x1xf32>
    %slice3A_233 = vector.extract_strided_slice %mul3A_199 {offsets = [0, 17], sizes = [256, 1], strides = [1, 1]} : vector<256x128xf32> to vector<256x1xf32>
    %add3A_234 = arith.addf %add3A_232, %slice3A_233 : vector<256x1xf32>
    %slice3A_235 = vector.extract_strided_slice %mul3A_199 {offsets = [0, 18], sizes = [256, 1], strides = [1, 1]} : vector<256x128xf32> to vector<256x1xf32>
    %add3A_236 = arith.addf %add3A_234, %slice3A_235 : vector<256x1xf32>
    %slice3A_237 = vector.extract_strided_slice %mul3A_199 {offsets = [0, 19], sizes = [256, 1], strides = [1, 1]} : vector<256x128xf32> to vector<256x1xf32>
    %add3A_238 = arith.addf %add3A_236, %slice3A_237 : vector<256x1xf32>
    %slice3A_239 = vector.extract_strided_slice %mul3A_199 {offsets = [0, 20], sizes = [256, 1], strides = [1, 1]} : vector<256x128xf32> to vector<256x1xf32>
    %add3A_240 = arith.addf %add3A_238, %slice3A_239 : vector<256x1xf32>
    %slice3A_241 = vector.extract_strided_slice %mul3A_199 {offsets = [0, 21], sizes = [256, 1], strides = [1, 1]} : vector<256x128xf32> to vector<256x1xf32>
    %add3A_242 = arith.addf %add3A_240, %slice3A_241 : vector<256x1xf32>
    %slice3A_243 = vector.extract_strided_slice %mul3A_199 {offsets = [0, 22], sizes = [256, 1], strides = [1, 1]} : vector<256x128xf32> to vector<256x1xf32>
    %add3A_244 = arith.addf %add3A_242, %slice3A_243 : vector<256x1xf32>
    %slice3A_245 = vector.extract_strided_slice %mul3A_199 {offsets = [0, 23], sizes = [256, 1], strides = [1, 1]} : vector<256x128xf32> to vector<256x1xf32>
    %add3A_246 = arith.addf %add3A_244, %slice3A_245 : vector<256x1xf32>
    %slice3A_247 = vector.extract_strided_slice %mul3A_199 {offsets = [0, 24], sizes = [256, 1], strides = [1, 1]} : vector<256x128xf32> to vector<256x1xf32>
    %add3A_248 = arith.addf %add3A_246, %slice3A_247 : vector<256x1xf32>
    %slice3A_249 = vector.extract_strided_slice %mul3A_199 {offsets = [0, 25], sizes = [256, 1], strides = [1, 1]} : vector<256x128xf32> to vector<256x1xf32>
    %add3A_250 = arith.addf %add3A_248, %slice3A_249 : vector<256x1xf32>
    %slice3A_251 = vector.extract_strided_slice %mul3A_199 {offsets = [0, 26], sizes = [256, 1], strides = [1, 1]} : vector<256x128xf32> to vector<256x1xf32>
    %add3A_252 = arith.addf %add3A_250, %slice3A_251 : vector<256x1xf32>
    %slice3A_253 = vector.extract_strided_slice %mul3A_199 {offsets = [0, 27], sizes = [256, 1], strides = [1, 1]} : vector<256x128xf32> to vector<256x1xf32>
    %add3A_254 = arith.addf %add3A_252, %slice3A_253 : vector<256x1xf32>
    %slice3A_255 = vector.extract_strided_slice %mul3A_199 {offsets = [0, 28], sizes = [256, 1], strides = [1, 1]} : vector<256x128xf32> to vector<256x1xf32>
    %add3A_256 = arith.addf %add3A_254, %slice3A_255 : vector<256x1xf32>
    %slice3A_257 = vector.extract_strided_slice %mul3A_199 {offsets = [0, 29], sizes = [256, 1], strides = [1, 1]} : vector<256x128xf32> to vector<256x1xf32>
    %add3A_258 = arith.addf %add3A_256, %slice3A_257 : vector<256x1xf32>
    %slice3A_259 = vector.extract_strided_slice %mul3A_199 {offsets = [0, 30], sizes = [256, 1], strides = [1, 1]} : vector<256x128xf32> to vector<256x1xf32>
    %add3A_260 = arith.addf %add3A_258, %slice3A_259 : vector<256x1xf32>
    %slice3A_261 = vector.extract_strided_slice %mul3A_199 {offsets = [0, 31], sizes = [256, 1], strides = [1, 1]} : vector<256x128xf32> to vector<256x1xf32>
    %add3A_262 = arith.addf %add3A_260, %slice3A_261 : vector<256x1xf32>
    %slice3A_263 = vector.extract_strided_slice %mul3A_199 {offsets = [0, 32], sizes = [256, 1], strides = [1, 1]} : vector<256x128xf32> to vector<256x1xf32>
    %add3A_264 = arith.addf %add3A_262, %slice3A_263 : vector<256x1xf32>
    %slice3A_265 = vector.extract_strided_slice %mul3A_199 {offsets = [0, 33], sizes = [256, 1], strides = [1, 1]} : vector<256x128xf32> to vector<256x1xf32>
    %add3A_266 = arith.addf %add3A_264, %slice3A_265 : vector<256x1xf32>
    %slice3A_267 = vector.extract_strided_slice %mul3A_199 {offsets = [0, 34], sizes = [256, 1], strides = [1, 1]} : vector<256x128xf32> to vector<256x1xf32>
    %add3A_268 = arith.addf %add3A_266, %slice3A_267 : vector<256x1xf32>
    %slice3A_269 = vector.extract_strided_slice %mul3A_199 {offsets = [0, 35], sizes = [256, 1], strides = [1, 1]} : vector<256x128xf32> to vector<256x1xf32>
    %add3A_270 = arith.addf %add3A_268, %slice3A_269 : vector<256x1xf32>
    %slice3A_271 = vector.extract_strided_slice %mul3A_199 {offsets = [0, 36], sizes = [256, 1], strides = [1, 1]} : vector<256x128xf32> to vector<256x1xf32>
    %add3A_272 = arith.addf %add3A_270, %slice3A_271 : vector<256x1xf32>
    %slice3A_273 = vector.extract_strided_slice %mul3A_199 {offsets = [0, 37], sizes = [256, 1], strides = [1, 1]} : vector<256x128xf32> to vector<256x1xf32>
    %add3A_274 = arith.addf %add3A_272, %slice3A_273 : vector<256x1xf32>
    %slice3A_275 = vector.extract_strided_slice %mul3A_199 {offsets = [0, 38], sizes = [256, 1], strides = [1, 1]} : vector<256x128xf32> to vector<256x1xf32>
    %add3A_276 = arith.addf %add3A_274, %slice3A_275 : vector<256x1xf32>
    %slice3A_277 = vector.extract_strided_slice %mul3A_199 {offsets = [0, 39], sizes = [256, 1], strides = [1, 1]} : vector<256x128xf32> to vector<256x1xf32>
    %add3A_278 = arith.addf %add3A_276, %slice3A_277 : vector<256x1xf32>
    %slice3A_279 = vector.extract_strided_slice %mul3A_199 {offsets = [0, 40], sizes = [256, 1], strides = [1, 1]} : vector<256x128xf32> to vector<256x1xf32>
    %add3A_280 = arith.addf %add3A_278, %slice3A_279 : vector<256x1xf32>
    %slice3A_281 = vector.extract_strided_slice %mul3A_199 {offsets = [0, 41], sizes = [256, 1], strides = [1, 1]} : vector<256x128xf32> to vector<256x1xf32>
    %add3A_282 = arith.addf %add3A_280, %slice3A_281 : vector<256x1xf32>
    %slice3A_283 = vector.extract_strided_slice %mul3A_199 {offsets = [0, 42], sizes = [256, 1], strides = [1, 1]} : vector<256x128xf32> to vector<256x1xf32>
    %add3A_284 = arith.addf %add3A_282, %slice3A_283 : vector<256x1xf32>
    %slice3A_285 = vector.extract_strided_slice %mul3A_199 {offsets = [0, 43], sizes = [256, 1], strides = [1, 1]} : vector<256x128xf32> to vector<256x1xf32>
    %add3A_286 = arith.addf %add3A_284, %slice3A_285 : vector<256x1xf32>
    %slice3A_287 = vector.extract_strided_slice %mul3A_199 {offsets = [0, 44], sizes = [256, 1], strides = [1, 1]} : vector<256x128xf32> to vector<256x1xf32>
    %add3A_288 = arith.addf %add3A_286, %slice3A_287 : vector<256x1xf32>
    %slice3A_289 = vector.extract_strided_slice %mul3A_199 {offsets = [0, 45], sizes = [256, 1], strides = [1, 1]} : vector<256x128xf32> to vector<256x1xf32>
    %add3A_290 = arith.addf %add3A_288, %slice3A_289 : vector<256x1xf32>
    %slice3A_291 = vector.extract_strided_slice %mul3A_199 {offsets = [0, 46], sizes = [256, 1], strides = [1, 1]} : vector<256x128xf32> to vector<256x1xf32>
    %add3A_292 = arith.addf %add3A_290, %slice3A_291 : vector<256x1xf32>
    %slice3A_293 = vector.extract_strided_slice %mul3A_199 {offsets = [0, 47], sizes = [256, 1], strides = [1, 1]} : vector<256x128xf32> to vector<256x1xf32>
    %add3A_294 = arith.addf %add3A_292, %slice3A_293 : vector<256x1xf32>
    %slice3A_295 = vector.extract_strided_slice %mul3A_199 {offsets = [0, 48], sizes = [256, 1], strides = [1, 1]} : vector<256x128xf32> to vector<256x1xf32>
    %add3A_296 = arith.addf %add3A_294, %slice3A_295 : vector<256x1xf32>
    %slice3A_297 = vector.extract_strided_slice %mul3A_199 {offsets = [0, 49], sizes = [256, 1], strides = [1, 1]} : vector<256x128xf32> to vector<256x1xf32>
    %add3A_298 = arith.addf %add3A_296, %slice3A_297 : vector<256x1xf32>
    %slice3A_299 = vector.extract_strided_slice %mul3A_199 {offsets = [0, 50], sizes = [256, 1], strides = [1, 1]} : vector<256x128xf32> to vector<256x1xf32>
    %add3A_300 = arith.addf %add3A_298, %slice3A_299 : vector<256x1xf32>
    %slice3A_301 = vector.extract_strided_slice %mul3A_199 {offsets = [0, 51], sizes = [256, 1], strides = [1, 1]} : vector<256x128xf32> to vector<256x1xf32>
    %add3A_302 = arith.addf %add3A_300, %slice3A_301 : vector<256x1xf32>
    %slice3A_303 = vector.extract_strided_slice %mul3A_199 {offsets = [0, 52], sizes = [256, 1], strides = [1, 1]} : vector<256x128xf32> to vector<256x1xf32>
    %add3A_304 = arith.addf %add3A_302, %slice3A_303 : vector<256x1xf32>
    %slice3A_305 = vector.extract_strided_slice %mul3A_199 {offsets = [0, 53], sizes = [256, 1], strides = [1, 1]} : vector<256x128xf32> to vector<256x1xf32>
    %add3A_306 = arith.addf %add3A_304, %slice3A_305 : vector<256x1xf32>
    %slice3A_307 = vector.extract_strided_slice %mul3A_199 {offsets = [0, 54], sizes = [256, 1], strides = [1, 1]} : vector<256x128xf32> to vector<256x1xf32>
    %add3A_308 = arith.addf %add3A_306, %slice3A_307 : vector<256x1xf32>
    %slice3A_309 = vector.extract_strided_slice %mul3A_199 {offsets = [0, 55], sizes = [256, 1], strides = [1, 1]} : vector<256x128xf32> to vector<256x1xf32>
    %add3A_310 = arith.addf %add3A_308, %slice3A_309 : vector<256x1xf32>
    %slice3A_311 = vector.extract_strided_slice %mul3A_199 {offsets = [0, 56], sizes = [256, 1], strides = [1, 1]} : vector<256x128xf32> to vector<256x1xf32>
    %add3A_312 = arith.addf %add3A_310, %slice3A_311 : vector<256x1xf32>
    %slice3A_313 = vector.extract_strided_slice %mul3A_199 {offsets = [0, 57], sizes = [256, 1], strides = [1, 1]} : vector<256x128xf32> to vector<256x1xf32>
    %add3A_314 = arith.addf %add3A_312, %slice3A_313 : vector<256x1xf32>
    %slice3A_315 = vector.extract_strided_slice %mul3A_199 {offsets = [0, 58], sizes = [256, 1], strides = [1, 1]} : vector<256x128xf32> to vector<256x1xf32>
    %add3A_316 = arith.addf %add3A_314, %slice3A_315 : vector<256x1xf32>
    %slice3A_317 = vector.extract_strided_slice %mul3A_199 {offsets = [0, 59], sizes = [256, 1], strides = [1, 1]} : vector<256x128xf32> to vector<256x1xf32>
    %add3A_318 = arith.addf %add3A_316, %slice3A_317 : vector<256x1xf32>
    %slice3A_319 = vector.extract_strided_slice %mul3A_199 {offsets = [0, 60], sizes = [256, 1], strides = [1, 1]} : vector<256x128xf32> to vector<256x1xf32>
    %add3A_320 = arith.addf %add3A_318, %slice3A_319 : vector<256x1xf32>
    %slice3A_321 = vector.extract_strided_slice %mul3A_199 {offsets = [0, 61], sizes = [256, 1], strides = [1, 1]} : vector<256x128xf32> to vector<256x1xf32>
    %add3A_322 = arith.addf %add3A_320, %slice3A_321 : vector<256x1xf32>
    %slice3A_323 = vector.extract_strided_slice %mul3A_199 {offsets = [0, 62], sizes = [256, 1], strides = [1, 1]} : vector<256x128xf32> to vector<256x1xf32>
    %add3A_324 = arith.addf %add3A_322, %slice3A_323 : vector<256x1xf32>
    %slice3A_325 = vector.extract_strided_slice %mul3A_199 {offsets = [0, 63], sizes = [256, 1], strides = [1, 1]} : vector<256x128xf32> to vector<256x1xf32>
    %add3A_326 = arith.addf %add3A_324, %slice3A_325 : vector<256x1xf32>
    %slice3A_327 = vector.extract_strided_slice %mul3A_199 {offsets = [0, 64], sizes = [256, 1], strides = [1, 1]} : vector<256x128xf32> to vector<256x1xf32>
    %add3A_328 = arith.addf %add3A_326, %slice3A_327 : vector<256x1xf32>
    %slice3A_329 = vector.extract_strided_slice %mul3A_199 {offsets = [0, 65], sizes = [256, 1], strides = [1, 1]} : vector<256x128xf32> to vector<256x1xf32>
    %add3A_330 = arith.addf %add3A_328, %slice3A_329 : vector<256x1xf32>
    %slice3A_331 = vector.extract_strided_slice %mul3A_199 {offsets = [0, 66], sizes = [256, 1], strides = [1, 1]} : vector<256x128xf32> to vector<256x1xf32>
    %add3A_332 = arith.addf %add3A_330, %slice3A_331 : vector<256x1xf32>
    %slice3A_333 = vector.extract_strided_slice %mul3A_199 {offsets = [0, 67], sizes = [256, 1], strides = [1, 1]} : vector<256x128xf32> to vector<256x1xf32>
    %add3A_334 = arith.addf %add3A_332, %slice3A_333 : vector<256x1xf32>
    %slice3A_335 = vector.extract_strided_slice %mul3A_199 {offsets = [0, 68], sizes = [256, 1], strides = [1, 1]} : vector<256x128xf32> to vector<256x1xf32>
    %add3A_336 = arith.addf %add3A_334, %slice3A_335 : vector<256x1xf32>
    %slice3A_337 = vector.extract_strided_slice %mul3A_199 {offsets = [0, 69], sizes = [256, 1], strides = [1, 1]} : vector<256x128xf32> to vector<256x1xf32>
    %add3A_338 = arith.addf %add3A_336, %slice3A_337 : vector<256x1xf32>
    %slice3A_339 = vector.extract_strided_slice %mul3A_199 {offsets = [0, 70], sizes = [256, 1], strides = [1, 1]} : vector<256x128xf32> to vector<256x1xf32>
    %add3A_340 = arith.addf %add3A_338, %slice3A_339 : vector<256x1xf32>
    %slice3A_341 = vector.extract_strided_slice %mul3A_199 {offsets = [0, 71], sizes = [256, 1], strides = [1, 1]} : vector<256x128xf32> to vector<256x1xf32>
    %add3A_342 = arith.addf %add3A_340, %slice3A_341 : vector<256x1xf32>
    %slice3A_343 = vector.extract_strided_slice %mul3A_199 {offsets = [0, 72], sizes = [256, 1], strides = [1, 1]} : vector<256x128xf32> to vector<256x1xf32>
    %add3A_344 = arith.addf %add3A_342, %slice3A_343 : vector<256x1xf32>
    %slice3A_345 = vector.extract_strided_slice %mul3A_199 {offsets = [0, 73], sizes = [256, 1], strides = [1, 1]} : vector<256x128xf32> to vector<256x1xf32>
    %add3A_346 = arith.addf %add3A_344, %slice3A_345 : vector<256x1xf32>
    %slice3A_347 = vector.extract_strided_slice %mul3A_199 {offsets = [0, 74], sizes = [256, 1], strides = [1, 1]} : vector<256x128xf32> to vector<256x1xf32>
    %add3A_348 = arith.addf %add3A_346, %slice3A_347 : vector<256x1xf32>
    %slice3A_349 = vector.extract_strided_slice %mul3A_199 {offsets = [0, 75], sizes = [256, 1], strides = [1, 1]} : vector<256x128xf32> to vector<256x1xf32>
    %add3A_350 = arith.addf %add3A_348, %slice3A_349 : vector<256x1xf32>
    %slice3A_351 = vector.extract_strided_slice %mul3A_199 {offsets = [0, 76], sizes = [256, 1], strides = [1, 1]} : vector<256x128xf32> to vector<256x1xf32>
    %add3A_352 = arith.addf %add3A_350, %slice3A_351 : vector<256x1xf32>
    %slice3A_353 = vector.extract_strided_slice %mul3A_199 {offsets = [0, 77], sizes = [256, 1], strides = [1, 1]} : vector<256x128xf32> to vector<256x1xf32>
    %add3A_354 = arith.addf %add3A_352, %slice3A_353 : vector<256x1xf32>
    %slice3A_355 = vector.extract_strided_slice %mul3A_199 {offsets = [0, 78], sizes = [256, 1], strides = [1, 1]} : vector<256x128xf32> to vector<256x1xf32>
    %add3A_356 = arith.addf %add3A_354, %slice3A_355 : vector<256x1xf32>
    %slice3A_357 = vector.extract_strided_slice %mul3A_199 {offsets = [0, 79], sizes = [256, 1], strides = [1, 1]} : vector<256x128xf32> to vector<256x1xf32>
    %add3A_358 = arith.addf %add3A_356, %slice3A_357 : vector<256x1xf32>
    %slice3A_359 = vector.extract_strided_slice %mul3A_199 {offsets = [0, 80], sizes = [256, 1], strides = [1, 1]} : vector<256x128xf32> to vector<256x1xf32>
    %add3A_360 = arith.addf %add3A_358, %slice3A_359 : vector<256x1xf32>
    %slice3A_361 = vector.extract_strided_slice %mul3A_199 {offsets = [0, 81], sizes = [256, 1], strides = [1, 1]} : vector<256x128xf32> to vector<256x1xf32>
    %add3A_362 = arith.addf %add3A_360, %slice3A_361 : vector<256x1xf32>
    %slice3A_363 = vector.extract_strided_slice %mul3A_199 {offsets = [0, 82], sizes = [256, 1], strides = [1, 1]} : vector<256x128xf32> to vector<256x1xf32>
    %add3A_364 = arith.addf %add3A_362, %slice3A_363 : vector<256x1xf32>
    %slice3A_365 = vector.extract_strided_slice %mul3A_199 {offsets = [0, 83], sizes = [256, 1], strides = [1, 1]} : vector<256x128xf32> to vector<256x1xf32>
    %add3A_366 = arith.addf %add3A_364, %slice3A_365 : vector<256x1xf32>
    %slice3A_367 = vector.extract_strided_slice %mul3A_199 {offsets = [0, 84], sizes = [256, 1], strides = [1, 1]} : vector<256x128xf32> to vector<256x1xf32>
    %add3A_368 = arith.addf %add3A_366, %slice3A_367 : vector<256x1xf32>
    %slice3A_369 = vector.extract_strided_slice %mul3A_199 {offsets = [0, 85], sizes = [256, 1], strides = [1, 1]} : vector<256x128xf32> to vector<256x1xf32>
    %add3A_370 = arith.addf %add3A_368, %slice3A_369 : vector<256x1xf32>
    %slice3A_371 = vector.extract_strided_slice %mul3A_199 {offsets = [0, 86], sizes = [256, 1], strides = [1, 1]} : vector<256x128xf32> to vector<256x1xf32>
    %add3A_372 = arith.addf %add3A_370, %slice3A_371 : vector<256x1xf32>
    %slice3A_373 = vector.extract_strided_slice %mul3A_199 {offsets = [0, 87], sizes = [256, 1], strides = [1, 1]} : vector<256x128xf32> to vector<256x1xf32>
    %add3A_374 = arith.addf %add3A_372, %slice3A_373 : vector<256x1xf32>
    %slice3A_375 = vector.extract_strided_slice %mul3A_199 {offsets = [0, 88], sizes = [256, 1], strides = [1, 1]} : vector<256x128xf32> to vector<256x1xf32>
    %add3A_376 = arith.addf %add3A_374, %slice3A_375 : vector<256x1xf32>
    %slice3A_377 = vector.extract_strided_slice %mul3A_199 {offsets = [0, 89], sizes = [256, 1], strides = [1, 1]} : vector<256x128xf32> to vector<256x1xf32>
    %add3A_378 = arith.addf %add3A_376, %slice3A_377 : vector<256x1xf32>
    %slice3A_379 = vector.extract_strided_slice %mul3A_199 {offsets = [0, 90], sizes = [256, 1], strides = [1, 1]} : vector<256x128xf32> to vector<256x1xf32>
    %add3A_380 = arith.addf %add3A_378, %slice3A_379 : vector<256x1xf32>
    %slice3A_381 = vector.extract_strided_slice %mul3A_199 {offsets = [0, 91], sizes = [256, 1], strides = [1, 1]} : vector<256x128xf32> to vector<256x1xf32>
    %add3A_382 = arith.addf %add3A_380, %slice3A_381 : vector<256x1xf32>
    %slice3A_383 = vector.extract_strided_slice %mul3A_199 {offsets = [0, 92], sizes = [256, 1], strides = [1, 1]} : vector<256x128xf32> to vector<256x1xf32>
    %add3A_384 = arith.addf %add3A_382, %slice3A_383 : vector<256x1xf32>
    %slice3A_385 = vector.extract_strided_slice %mul3A_199 {offsets = [0, 93], sizes = [256, 1], strides = [1, 1]} : vector<256x128xf32> to vector<256x1xf32>
    %add3A_386 = arith.addf %add3A_384, %slice3A_385 : vector<256x1xf32>
    %slice3A_387 = vector.extract_strided_slice %mul3A_199 {offsets = [0, 94], sizes = [256, 1], strides = [1, 1]} : vector<256x128xf32> to vector<256x1xf32>
    %add3A_388 = arith.addf %add3A_386, %slice3A_387 : vector<256x1xf32>
    %slice3A_389 = vector.extract_strided_slice %mul3A_199 {offsets = [0, 95], sizes = [256, 1], strides = [1, 1]} : vector<256x128xf32> to vector<256x1xf32>
    %add3A_390 = arith.addf %add3A_388, %slice3A_389 : vector<256x1xf32>
    %mul3A_391 = arith.constant 2.000000e+00 : f32
    %mul3A_392 = vector.broadcast %mul3A_391 : f32 to vector<256x4096xf32>
    %mul3A_393 = arith.mulf %mul3A_392, %dot_general3A_9 : vector<256x4096xf32>
    %sub3A = vector.broadcast %add3A_390 : vector<256x1xf32> to vector<256x4096xf32>
    %sub3A_394 = arith.subf %sub3A, %mul3A_393 : vector<256x4096xf32>
    %add3A_395 = vector.broadcast %add3A_198 : vector<1x4096xf32> to vector<256x4096xf32>
    %add3A_396 = arith.addf %sub3A_394, %add3A_395 : vector<256x4096xf32>
    %swap3A = arith.constant 0 : index
    %swap3A_397 = arith.constant 0 : index
    %swap3A_398 = vector.load %arg5[%swap3A, %swap3A_397] : memref<256x4096xf32, #tpu.memory_space<vmem>>, vector<256x4096xf32>
    tpu.vector_store %arg5[%swap3A, %swap3A_397], %add3A_396 {strides = array<i32>} : memref<256x4096xf32, #tpu.memory_space<vmem>>, vector<256x4096xf32>,
    %iota3A = tpu.iota {dimensions = array<i32: 1>} : vector<256x4096xi32>
    %iota3A_399 = tpu.iota {dimensions = array<i32: 1>} : vector<256x32xi32>
    %broadcast_in_dim3A = arith.constant 0 : i32
    %broadcast_in_dim3A_400 = vector.broadcast %broadcast_in_dim3A : i32 to vector<256x32xi32>
    %scan3A = arith.constant 0 : i32
    %scan3A_401 = arith.constant 32 : i32
    %scan3A_402 = arith.addi %scan3A, %scan3A_401 : i32
    %scan3A_403 = arith.constant 1 : i32
    %scan3A_404 = scf.for %scan3A_412 = %scan3A to %scan3A_402 step %scan3A_403 iter_args(%scan3A_413 = %broadcast_in_dim3A_400) -> (vector<256x32xi32>)  : i32 {
      %get3A_414 = arith.constant 0 : index
      %get3A_415 = arith.constant 0 : index
      %get3A_416 = vector.load %arg5[%get3A_414, %get3A_415] : memref<256x4096xf32, #tpu.memory_space<vmem>>, vector<256x4096xf32>
      %reduce_min3A = arith.constant dense<0x7F800000> : vector<256xf32>
      %reduce_min3A_417 = vector.multi_reduction <minimumf>, %get3A_416, %reduce_min3A [1] : vector<256x4096xf32> to vector<256xf32>
      %broadcast_in_dim3A_418 = vector.shape_cast %reduce_min3A_417 : vector<256xf32> to vector<256x1xf32>
      %le3A = vector.broadcast %broadcast_in_dim3A_418 : vector<256x1xf32> to vector<256x4096xf32>
      %le3A_419 = arith.cmpf ole, %get3A_416, %le3A : vector<256x4096xf32>
      %jit3A = arith.constant 4096 : i32
      %broadcast_in_dim3A_420 = vector.broadcast %jit3A : i32 to vector<256x4096xi32>
      %select_n3A = arith.select %le3A_419, %iota3A, %broadcast_in_dim3A_420 : vector<256x4096xi1>, vector<256x4096xi32>
      %reduce_min3A_421 = arith.constant dense<2147483647> : vector<256xi32>
      %reduce_min3A_422 = vector.multi_reduction <minsi>, %select_n3A, %reduce_min3A_421 [1] : vector<256x4096xi32> to vector<256xi32>
      %broadcast_in_dim3A_423 = vector.shape_cast %reduce_min3A_422 : vector<256xi32> to vector<256x1xi32>
      %eq3A = vector.broadcast %broadcast_in_dim3A_423 : vector<256x1xi32> to vector<256x4096xi32>
      %eq3A_424 = arith.cmpi eq, %iota3A, %eq3A : vector<256x4096xi32>
      %jit3A_425 = arith.constant 0x7F800000 : f32
      %broadcast_in_dim3A_426 = vector.broadcast %jit3A_425 : f32 to vector<256x4096xf32>
      %select_n3A_427 = arith.select %eq3A_424, %broadcast_in_dim3A_426, %get3A_416 : vector<256x4096xi1>, vector<256x4096xf32>
      %swap3A_428 = arith.constant 0 : index
      %swap3A_429 = arith.constant 0 : index
      %swap3A_430 = vector.load %arg5[%swap3A_428, %swap3A_429] : memref<256x4096xf32, #tpu.memory_space<vmem>>, vector<256x4096xf32>
      tpu.vector_store %arg5[%swap3A_428, %swap3A_429], %select_n3A_427 {strides = array<i32>} : memref<256x4096xf32, #tpu.memory_space<vmem>>, vector<256x4096xf32>,
      %eq3A_431 = vector.broadcast %scan3A_412 : i32 to vector<256x32xi32>
      %eq3A_432 = arith.cmpi eq, %iota3A_399, %eq3A_431 : vector<256x32xi32>
      %broadcast_in_dim3A_433 = vector.shape_cast %broadcast_in_dim3A_423 : vector<256x1xi32> to vector<256x1xi32>
      %broadcast_in_dim3A_434 = vector.broadcast %broadcast_in_dim3A_433 : vector<256x1xi32> to vector<256x32xi32>
      %select_n3A_435 = arith.select %eq3A_432, %broadcast_in_dim3A_434, %scan3A_413 : vector<256x32xi1>, vector<256x32xi32>
      scf.yield %select_n3A_435 : vector<256x32xi32>
    }
    %scan3A_405 = arith.constant 32 : i32
    %swap3A_406 = arith.constant 0 : index
    %swap3A_407 = arith.constant 0 : index
    %swap3A_408 = arith.constant 0 : index
    %swap3A_409 = vector.load %arg4[%swap3A_406, %swap3A_407, %swap3A_408] : memref<1x256x32xi32, #tpu.memory_space<vmem>>, vector<1x256x32xi32>
    %swap3A_410 = vector.shape_cast %swap3A_409 : vector<1x256x32xi32> to vector<256x32xi32>
    %swap3A_411 = vector.shape_cast %scan3A_404 : vector<256x32xi32> to vector<1x256x32xi32>
    tpu.vector_store %arg4[%swap3A_406, %swap3A_407, %swap3A_408], %swap3A_411 {strides = array<i32>} : memref<1x256x32xi32, #tpu.memory_space<vmem>>, vector<1x256x32xi32>,
    return
  }
  func.func @transform_0(%arg0: i32, %arg1: i32) -> (i32, i32, i32) {
    %c0_i32 = arith.constant 0 : i32
    %c0_i32_0 = arith.constant 0 : i32
    return %arg0, %arg1, %c0_i32 : i32, i32, i32
  }
  func.func @transform_1(%arg0: i32, %arg1: i32) -> (i32, i32, i32) {
    %c0_i32 = arith.constant 0 : i32
    %c0_i32_0 = arith.constant 0 : i32
    %c0_i32_1 = arith.constant 0 : i32
    return %arg0, %c0_i32, %c0_i32_0 : i32, i32, i32
  }
  func.func @transform_2(%arg0: i32, %arg1: i32) -> (i32, i32, i32) {
    %c0_i32 = arith.constant 0 : i32
    %c0_i32_0 = arith.constant 0 : i32
    return %arg0, %arg1, %c0_i32 : i32, i32, i32
  }
}

</mosaic_0001>

<sc_bundles>
// kernel: kernel.4.cloned.1.call-start
scs
__scs_entry_jumppad:
0x0: {  	(pc) =	sbr.rel $0x88, $3  }
0x1: {  	(tag) =	ssettag $0x0;
	lr =	simm.s32 $0x1  }
0x2: {  	[smem:$0x3F9F] =	sst lr;
	_ =	strace $0xD0000000  }
0x3: {  	_ = 	snop  }
0x4: {  	_ = 	snop  }
0x5: {  	_ = 	snop  }
0x6: {  	_ = 	snop  }
0x7: {  	_ = 	snop  }
__scs_overlays_trampoline_lowered:
0x8: {  	[smem:$0x3FAE] =	sst s0  }
0x9: {  	[smem:$0x3FAF] =	sst s1  }
0xa: {  	[smem:$0x3FB0] =	sst s2  }
0xb: {  	[smem:$0x3FB1] =	sst s3  }
0xc: {  	[smem:$0x3FB2] =	sst s4  }
0xd: {  	[smem:$0x3FB3] =	sst s5  }
0xe: {  	[smem:$0x3FB4] =	sst s6  }
0xf: {  	[smem:$0x3FB5] =	sst s7  }
0x10: {  	[smem:$0x3FB6] =	sst s8  }
0x11: {  	[smem:$0x3FB7] =	sst s9;
	s0 =	simm.s32 @!p0 $0x0  }
0x12: {  	s1 =	sld [smem:$0x3F9D];
	s0 =	simm.s32 @p0 $0x1  }
0x13: {  	[smem:$0x3FB8] =	sst s0;
	s0 =	simm.s32 @!p1 $0x0  }
0x14: {  	s2 =	sld [smem:$0x3F9C];
	s0 =	simm.s32 @p1 $0x1  }
0x15: {  	[smem:$0x3FB9] =	sst s0;
	s0 =	simm.s32 @!p2 $0x0  }
0x16: {  	s3 =	sld [smem:$0x3FDB];
	s0 =	simm.s32 @p2 $0x1  }
0x17: {  	s4 =	simm.s32 $0x1BF5;
	[smem:$0x3FBB] =	sst s0  }
0x18: {  	s0 =	sld [smem:$0x3F9E];
	_ =	swait.ge [sflag:s4], $0x0  }
0x19: {  	s7 =	sld [smem:$0x3F9F]  }
0x1a: {  	s8 =	sadd.s32 $0xFFFFE003, lr  }
0x1b: {  	s9 =	sadd.s32 $0xFFFFFEF7, lr;
	s5 =	simm.s32 $0xFFFFFFFF;
	p2 =	slt.u32 s8, $0xFFFFF086  }
0x1c: {  	p1 =	slt.u32 s9, $0xF7A;
	s5 =	simm.s32 @!p2 $0x0  }
0x1d: {  	s5 =	simm.s32 @p1 $0x1;
	p0 =	seq.s32 s7, s2  }
0x1e: {  	s7 =	smul.u32 @!p0 $0xF7A, s2;
	p2 =	seq.s32 @!p0 s5, $0x0  }
0x1f: {  	s9 =	smul.u32 $0xF7A, s1;
	s8 =	simm.s32 @!p0 $0x1BF5;
	p2 =	por !p2, p0  }
0x20: {  	[sflag:s8] =	ssyncset.s32 @!p0 $0xFFFFF086;
	s6 =	sadd.s32 @!p0 s3, s7;
	s7 =	simm.s32 @!p0 $0x108  }
0x21: {  	s3 =	sadd.s32 s3, s9;
	s6 =	sadd.s32 @!p0 $0x88, s6;
	s7 =	simm.s32 @p2 $0x1082  }
0x22: {  	[simem:s7], [sflag:s8] =	dma.local @!p0 [hbm:s6], $0xF7A  }
0x23: {  	s9 =	sor.u32 $0xD0000000, s2;
	s6 =	simm.s32 $0x108;
	_ =	swait.ge @!p0 [sflag:s8], $0x0  }
0x24: {  	s3 =	sadd.s32 $0x88, s3;
	s6 =	simm.s32 @!p1 $0x1082;
	[sflag:s4] =	ssyncset.s32 $0xFFFFF086  }
0x25: {  	[simem:s6], [sflag:s4] =	dma.local [hbm:s3], $0xF7A  }
0x26: {  	[smem:$0x3F9F] =	sst s1;
	(tag) =	ssettag s2;
	_ =	strace s9  }
0x27: {  	s1 =	sld [smem:$0x3FAF]  }
0x28: {  	s2 =	sld [smem:$0x3FB0]  }
0x29: {  	s4 =	sld [smem:$0x3FB2]  }
0x2a: {  	p0 =	seq.s32 s5, $0x0;
	s5 =	sld [smem:$0x3FB3]  }
0x2b: {  	s6 =	sld [smem:$0x3FB4]  }
0x2c: {  	s7 =	sld [smem:$0x3FB5]  }
0x2d: {  	s3 =	simm.s32 $0x108;
	s8 =	sld [smem:$0x3FB6]  }
0x2e: {  	s3 =	simm.s32 @!p0 $0x1082;
	s9 =	sld [smem:$0x3FB7]  }
0x2f: {  	lr =	sadd.s32 s0, s3;
	s0 =	sld [smem:$0x3FAE]  }
0x30: {  	s3 =	sld [smem:$0x3FB1]  }
0x31: {  	[smem:$0x3FBA] =	sst s10  }
0x32: {  	s10 =	sld [smem:$0x3FB8];
	_ =	sdelay $0x3  }
0x33: {  	p0 =	seq.s32 s10, $0x1;
	s10 =	sld [smem:$0x3FBA];
	_ =	sdelay $0x3  }
0x34: {  	[smem:$0x3FBA] =	sst s10  }
0x35: {  	s10 =	sld [smem:$0x3FB9];
	_ =	sdelay $0x3  }
0x36: {  	p1 =	seq.s32 s10, $0x1;
	s10 =	sld [smem:$0x3FBA];
	_ =	sdelay $0x3  }
0x37: {  	[smem:$0x3FBA] =	sst s10  }
0x38: {  	s10 =	sld [smem:$0x3FBB]  }
0x39: {  	_ = 	snop;
	(pc) =	sbr.ind lr, $3  }
0x3a: {  	_ = 	snop  }
0x3b: {  	_ = 	snop  }
0x3c: {  	p2 =	seq.s32 s10, $0x1;
	s10 =	sld [smem:$0x3FBA]  }
0x3d: {  	_ =	shalt  }
0x3e: {  	_ =	shalt  }
0x3f: {  	_ =	shalt  }
0x40: {  	_ =	shalt  }
0x41: {  	_ =	shalt  }
0x42: {  	_ =	shalt  }
0x43: {  	_ =	shalt  }
0x44: {  	_ =	shalt  }
0x45: {  	_ =	shalt  }
0x46: {  	_ =	shalt  }
0x47: {  	_ =	shalt  }
0x48: {  	_ =	shalt  }
0x49: {  	_ =	shalt  }
0x4a: {  	_ =	shalt  }
0x4b: {  	_ =	shalt  }
0x4c: {  	_ =	shalt  }
0x4d: {  	_ =	shalt  }
0x4e: {  	_ =	shalt  }
0x4f: {  	_ =	shalt  }
0x50: {  	_ =	shalt  }
0x51: {  	_ =	shalt  }
0x52: {  	_ =	shalt  }
0x53: {  	_ =	shalt  }
0x54: {  	_ =	shalt  }
0x55: {  	_ =	shalt  }
0x56: {  	_ =	shalt  }
0x57: {  	_ =	shalt  }
0x58: {  	_ =	shalt  }
0x59: {  	_ =	shalt  }
0x5a: {  	_ =	shalt  }
0x5b: {  	_ =	shalt  }
0x5c: {  	_ =	shalt  }
0x5d: {  	_ =	shalt  }
0x5e: {  	_ =	shalt  }
0x5f: {  	_ =	shalt  }
0x60: {  	_ =	shalt  }
0x61: {  	_ =	shalt  }
0x62: {  	_ =	shalt  }
0x63: {  	_ =	shalt  }
0x64: {  	_ =	shalt  }
0x65: {  	_ =	shalt  }
0x66: {  	_ =	shalt  }
0x67: {  	_ =	shalt  }
0x68: {  	_ =	shalt  }
0x69: {  	_ =	shalt  }
0x6a: {  	_ =	shalt  }
0x6b: {  	_ =	shalt  }
0x6c: {  	_ =	shalt  }
0x6d: {  	_ =	shalt  }
0x6e: {  	_ =	shalt  }
0x6f: {  	_ =	shalt  }
0x70: {  	_ =	shalt  }
0x71: {  	_ =	shalt  }
0x72: {  	_ =	shalt  }
0x73: {  	_ =	shalt  }
0x74: {  	_ =	shalt  }
0x75: {  	_ =	shalt  }
0x76: {  	_ =	shalt  }
0x77: {  	_ =	shalt  }
0x78: {  	_ =	shalt  }
0x79: {  	_ =	shalt  }
0x7a: {  	_ =	shalt  }
0x7b: {  	_ =	shalt  }
0x7c: {  	_ =	shalt  }
0x7d: {  	_ =	shalt  }
0x7e: {  	_ =	shalt  }
0x7f: {  	_ =	shalt  }
0x80: {  	_ =	shalt  }
0x81: {  	_ =	shalt  }
0x82: {  	_ =	shalt  }
0x83: {  	_ =	shalt  }
0x84: {  	_ =	shalt  }
0x85: {  	_ =	shalt  }
0x86: {  	_ =	shalt  }
0x87: {  	_ =	shalt  }
.Lfunc_end0:
.L_simem_size_0:
called_computation.1_lowered:
.L_overlay_start_0:
0x88: {  	s2 =	sld [smem:$0x3FD9]  }
0x89: {  	s3 =	sld [smem:$0x3FFE];
	_ =	sdelay $0x1  }
0x8a: {  	s1 =	srdreg.scid  }
0x8b: {  	s0 =	sand.u32 $0x1, s1  }
0x8c: {  	s14 =	sshll.u32 s0, $0xA;
	s2 =	sadd.s32 s3, s2  }
0x8d: {  	s2 =	sadd.s32 s2, s14  }
0x8e: {  	[smem:$0x3FC6] =	sst s2  }
0x8f: {  	_ = 	snop  }
0x90: {  	s2 =	sld [smem:$0x3FD0];
	_ =	sdelay $0x2  }
0x91: {  	s15 =	simm.s32 $0xA;
	s4 =	simm.s32 $0x10  }
0x92: {  	[smem:s4], [sflag:s15] =	dma.local [hbm:s2], $0x1  }
0x93: {  	_ =	swait.eq [sflag:s15], $0x1  }
0x94: {  	[sflag:s15] =	ssyncset.done $0x0  }
0x95: {  	[sflag:s15] =	ssyncadd.s32 $0xFFFFFFFF  }
0x96: {  	s16 =	sld [smem:$0x13];
	(tm) =	ssettm $0x1  }
0x97: {  	s17 =	sld [smem:$0x3FFB];
	_ =	sdelay $0x3  }
0x98: {  	_ =	strace s17  }
0x99: {  	s3 =	sld [smem:$0x3FFC];
	_ =	sdelay $0x3  }
0x9a: {  	_ =	strace s3  }
0x9b: {  	s3 =	sld [smem:$0x3FFD];
	_ =	sdelay $0x3  }
0x9c: {  	_ =	strace s3  }
0x9d: {  	_ =	strace $0x8FFFFFFF  }
0x9e: {  	s18 =	sld [smem:$0x3FDB];
	_ =	sdelay $0x1  }
0x9f: {  	s19 =	simm.s32 $_scs_section_size  }
0xa0: {  	s5 =	simm.s32 $_size__tile_overlayer_lowered;
	s6 =	simm.s32 $_tile_overlayer_lowered  }
0xa1: {  	s22 =	simm.s32 $0x1BFF;
	s21 =	sshll.u32 s6, $0x1;
	s3 =	sadd.s32 s19, s18  }
0xa2: {  	s7 =	simm.s32 $0x0;
	s20 =	sshll.u32 s5, $0x1;
	s5 =	sadd.s32 s21, s3  }
0xa3: {  	[timem:s7], [sflag:s22] =	dma.local [hbm:s5], s20  }
0xa4: {  	_ =	swait.ge [sflag:s22], s20  }
0xa5: {  	s4 =	ssub.s32 $0x0, s20;
	[sflag:s22] =	ssyncset.done $0x0  }
0xa6: {  	[sflag:s22] =	ssyncadd.s32 s4;
	_ =	sdelay $0x1  }
0xa7: {  	s23 =	simm.s32 $0x1B8B  }
0xa8: {  	_ =	swait.ge [sflag:s23], $0x1  }
0xa9: {  	[sflag:s23] =	ssyncset.done $0x0  }
0xaa: {  	s25 =	simm.s32 $0x1B8E;
	s24 =	sld [smem:$0x3FFE];
	[sflag:s23] =	ssyncadd.s32 $0xFFFFFFFF  }
0xab: {  	s26 =	simm.s32 $execute0_lowered;
	[smem:$0x3FD2] =	sst s25  }
0xac: {  	s5 =	sshll.u32 s26, $0x1;
	_ =	strace $0x80000046;
	[dreg:$0x1] =	wrdreg $0xFFFFFFFF  }
0xad: {  	s28 =	simm.s32 $_size_execute0_lowered;
	s3 =	sadd.s32 s3, s5;
	[dreg:$0x0] =	wrdreg $0x0  }
0xae: {  	s5 =	sshll.u32 s28, $0x1;
	[dreg:$0x2] =	wrdreg s3  }
0xaf: {  	[dreg:$0x3] =	wrdreg s5  }
0xb0: {  	[dreg:$0x4] =	wrdreg $0xC0  }
0xb1: {  	_ =	task [dreg:s7], $0x5FFFF  }
0xb2: {  	[dreg:$0x1] =	wrdreg $0xFFFFFFFF  }
0xb3: {  	[dreg:$0x0] =	wrdreg $0x60  }
0xb4: {  	[dreg:$0x2] =	wrdreg s24  }
0xb5: {  	[dreg:$0x3] =	wrdreg s16  }
0xb6: {  	[dreg:$0x4] =	wrdreg $0x9  }
0xb7: {  	_ =	task.clear_ibuf [dreg:s7], $0x5FFFF;
	_ =	strace $0x90000046  }
0xb8: {  	s29 =	simm.s32 $0x9;
	_ =	strace $0x80000048  }
0xb9: {  	_ =	swait.ge [sflag:s29], $0x1  }
0xba: {  	[sflag:s29] =	ssyncadd.s32 $0xFFFFFFFF  }
0xbb: {  	_ =	strace $0x90000048  }
0xbc: {  	_ =	sfence  }
0xbd: {  	s30 =	sld [smem:$0x0];
	_ =	sdelay $0x2  }
0xbe: {  	s31 =	sshll.u32 s1, $0xD;
	s1 =	sshrl.u32 s1, $0x2  }
0xbf: {  	s3 =	sand.u32 $0x4000, s31;
	s1 =	sadd.s32 s1, s30  }
0xc0: {  	s0 =	sor.u32 s3, s0;
	s1 =	sshll.u32 s1, $0x11  }
0xc1: {  	s0 =	sor.u32 s1, s0  }
0xc2: {  	s0 =	sadd.s32 $0x8F2B, s0  }
0xc3: {  	[sflag:s0] =	ssyncadd.remote.s32 $0x1  }
0xc4: {  	_ =	sfence.sel $0xFFFF  }
0xc5: {  	[dreg:$0x0] =	wrdreg $0xFFFFFFFF;
	(pc) =	sbr.abs _section_cstart, $3  }
0xc6: {  	[dreg:$0x1] =	wrdreg $0xFFFFFFFF  }
0xc7: {  	_ =	task.clear_ibuf [dreg:s7], $0x2FFFF;
	_ =	strace $0x9FFFFFFF  }
0xc8: {  	(tm) =	ssettm $0x7FFFFFFF  }
0xc9: {  	_ =	shalt  }
tec
execute0_lowered:
.L_overlay_start_1:
0x0: {  	(tag) =	ssettag $0x1  }
0x1: {  	s4 =	rddreg [dreg:$0x0]  }
0x2: {  	s6 =	rddreg [dreg:$0x1]  }
0x3: {  	s0 =	rddreg [dreg:$0x2];
	s2 =	simm.s32 $0x0;
	s1 =	stileid.u32  }
0x4: {  	s3 =	srdreg.scid;
	[smem:$0x7FF] =	sst s2  }
0x5: {  	s5 =	sshll.u32 s1, $0x13;
	s7 =	sand.u32 $0x1, s3;
	s3 =	sadd.s32 $0xE00, s4  }
0x6: {  	s9 =	sshll.u32 s1, $0xF;
	_ =	strace $0x80000047;
	s5 =	sadd.s32 s5, s4  }
0x7: {  	s29 =	ssub.s32 $0x2, s7;
	s10 =	sshll.u32 s7, $0xE;
	s7 =	sshll.u32 s7, $0x12  }
0x8: {  	s8 =	sshrl.u32 s29, $0x1;
	s30 =	sor.u32 s10, s9;
	s5 =	sadd.s32 s7, s5  }
0x9: {  	s7 =	simm.s32 $0x2;
	s9 =	simm.s32 $0x1;
	s10 =	simm.s32 $0x0  }
0xa: {  	s4 =	ssub.s32 s29, s8;
	s31 =	sshrl.u32 s30, $0x3;
	s5 =	sadd.s32 $0x40E00, s5  }
0xb: {  	s8 =	simm.s32 $0x200;
	s4 =	smax.u32 s4, $0x1;
	s6 =	sadd.s32 s31, s6  }
.LBB2_1:
0xc: {  	s11 =	sadd.s32 $0x0, s6  }
0xd: {  	[tilespmem:s2], [sflag:$0x2] =	stream.linear.gather [hbm4b:s11+s2], $0x200, $0x38;
	[tilespmem:$0x10200] =	vst v63  }
0xe: {  	_ =	swait.ge [sflag:s7], $0x200  }
0xf: {  	[sflag:s7] =	ssyncset.done $0x0  }
0x10: {  	[sflag:s7] =	ssyncadd.s32 $0xFFFFFE00  }
0x11: {  	[tilespmem:s8], [sflag:$0x1] =	stream.indirect.gather [hbm4b:s3+s8], $0x80, s2, s8, $0xb8;
	[tilespmem:$0x10200] =	vst v63  }
0x12: {  	_ =	swait.ge [sflag:s9], $0x10000  }
0x13: {  	[sflag:s9] =	ssyncset.done $0x0  }
0x14: {  	[sflag:s9] =	ssyncadd.s32 $0xFFFF0000  }
0x15: {  	[hbm4b:s5+s2] =	stream.linear.scatter [tilespmem:s8], [sflag:$0x2], $0x10000, $0x38;
	[tilespmem:$0x10200] =	vst v63  }
0x16: {  	s12 =	simm.s32 $0x40;
	_ =	swait.ge [sflag:s7], $0x10000  }
0x17: {  	s13 =	simm.s32 $0x80;
	s11 =	sadd.s32 $0x2000, s5;
	[sflag:s7] =	ssyncset.done $0x0  }
.LBB2_2:
0x18: {  	s14 =	sadd.s32 s12, s6  }
0x19: {  	[sflag:s7] =	ssyncadd.s32 $0xFFFF0000;
	s12 =	smov.u32 s13;
	s15 =	sadd.s32 $0x40, s13  }
0x1a: {  	[tilespmem:s2], [sflag:$0x2] =	stream.linear.gather [hbm4b:s14+s2], $0x200, $0x38;
	[tilespmem:$0x10200] =	vst v63  }
0x1b: {  	p0 =	sne.s32 s13, $0x7C0;
	_ =	swait.ge [sflag:s7], $0x200  }
0x1c: {  	[sflag:s7] =	ssyncset.done $0x0  }
0x1d: {  	[sflag:s7] =	ssyncadd.s32 $0xFFFFFE00  }
0x1e: {  	[tilespmem:s8], [sflag:$0x1] =	stream.indirect.gather [hbm4b:s3+s8], $0x80, s2, s8, $0xb8;
	[tilespmem:$0x10200] =	vst v63  }
0x1f: {  	_ =	swait.ge [sflag:s9], $0x10000  }
.Ltmp0:
0x20: {  	[sflag:s9] =	ssyncset.done $0x0;
	(pc) =	sbr.rel @p0 .LBB2_2-.Ltmp0, $4  }
0x21: {  	[sflag:s9] =	ssyncadd.s32 $0xFFFF0000  }
0x22: {  	[hbm4b:s11+s2] =	stream.linear.scatter [tilespmem:s8], [sflag:$0x2], $0x10000, $0x38;
	[tilespmem:$0x10200] =	vst v63  }
0x23: {  	_ =	swait.ge [sflag:s7], $0x10000  }
0x24: {  	s13 =	smov.u32 s15;
	s11 =	sadd.s32 $0x2000, s11;
	[sflag:s7] =	ssyncset.done $0x0  }
0x25: {  	s12 =	sadd.s32 s12, s6;
	[sflag:s7] =	ssyncadd.s32 $0xFFFF0000  }
0x26: {  	[tilespmem:s2], [sflag:$0x2] =	stream.linear.gather [hbm4b:s12+s2], $0x200, $0x38;
	[tilespmem:$0x10200] =	vst v63  }
0x27: {  	_ =	swait.ge [sflag:s7], $0x200  }
0x28: {  	[sflag:s7] =	ssyncset.done $0x0  }
0x29: {  	[sflag:s7] =	ssyncadd.s32 $0xFFFFFE00  }
0x2a: {  	[tilespmem:s8], [sflag:$0x1] =	stream.indirect.gather [hbm4b:s3+s8], $0x80, s2, s8, $0xb8;
	[tilespmem:$0x10200] =	vst v63  }
0x2b: {  	s10 =	sadd.s32 $0x1, s10;
	_ =	swait.ge [sflag:s9], $0x10000  }
0x2c: {  	p0 =	sne.s32 s10, s4;
	[sflag:s9] =	ssyncset.done $0x0  }
.Ltmp1:
0x2d: {  	[sflag:s9] =	ssyncadd.s32 $0xFFFF0000;
	(pc) =	sbr.rel @p0 .LBB2_1-.Ltmp1, $4  }
0x2e: {  	[hbm4b:s11+s2] =	stream.linear.scatter [tilespmem:s8], [sflag:$0x2], $0x10000, $0x38;
	[tilespmem:$0x10200] =	vst v63  }
0x2f: {  	_ =	swait.ge [sflag:s7], $0x10000  }
0x30: {  	[sflag:s7] =	ssyncset.done $0x0  }
0x31: {  	[sflag:s7] =	ssyncadd.s32 $0xFFFF0000  }
0x32: {  	_ =	sfence.sel $0x180000  }
0x33: {  	[bflag:$0x0] =	sbarrier.arrive $0xFFFF  }
0x34: {  	p0 =	sne.s32 s1, $0x0;
	_ =	strace $0x90000047  }
0x35: {  	s0 =	sadd.s32 @!p0 $0x100000, s0;
	[bflag:$0x2] =	sbarrier.arrive $0xFFFF  }
0x36: {  	[sflag:s0] =	ssyncadd.tile.s32 @!p0 $0x1;
	_ =	shalt  }
.Lfunc_end2:
_tile_overlayer_lowered:
.L_overlay_start_2:
0x37: {  	(tag) =	ssettag $0x2  }
0x38: {  	s0 =	rddreg [dreg:$0x0];
	s2 =	stileid.u32  }
0x39: {  	s1 =	rddreg [dreg:$0x1];
	p0 =	sne.s32 s2, $0x0  }
0x3a: {  	s3 =	rddreg [dreg:$0x2];
	[bflag:$0x3] =	sbarrier.arrive $0xFFFF;
	s2 =	simm.s32 @!p0 $0x1C02  }
0x3b: {  	[timem:s3], [sflag:s2] =	dma.local @!p0 [hbm:s0], s1  }
0x3c: {  	s0 =	simm.s32 @!p0 $0x2  }
0x3d: {  	_ =	swait.ge @!p0 [sflag:s0], s1  }
0x3e: {  	s1 =	ssub.s32 @!p0 $0x0, s1;
	[sflag:s0] =	ssyncset.done @!p0 $0x0  }
0x3f: {  	[sflag:s0] =	ssyncadd.s32 @!p0 s1  }
0x40: {  	[bflag:$0x3] =	sbarrier.arrive $0xFFFF  }
0x41: {  	_ =	shalt  }

// kernel: sparse-core-data-format-call.cloned.1.call-start
scs
called_computation_lowered:
.L_overlay_start_0:
0x0: {  	s2 =	sld [smem:$0x3FD9]  }
0x1: {  	s3 =	sld [smem:$0x3FFE];
	_ =	sdelay $0x1  }
0x2: {  	s1 =	srdreg.scid  }
0x3: {  	s0 =	sand.u32 $0x1, s1  }
0x4: {  	s15 =	sshll.u32 s0, $0xA;
	s2 =	sadd.s32 s3, s2  }
0x5: {  	s2 =	sadd.s32 s2, s15  }
0x6: {  	[smem:$0x3FC6] =	sst s2  }
0x7: {  	_ = 	snop  }
0x8: {  	s2 =	sld [smem:$0x3FD0];
	_ =	sdelay $0x2  }
0x9: {  	s16 =	simm.s32 $0xA;
	s4 =	simm.s32 $0x10  }
0xa: {  	[smem:s4], [sflag:s16] =	dma.local [hbm:s2], $0x1  }
0xb: {  	_ =	swait.eq [sflag:s16], $0x1  }
0xc: {  	[sflag:s16] =	ssyncset.done $0x0  }
0xd: {  	[sflag:s16] =	ssyncadd.s32 $0xFFFFFFFF  }
0xe: {  	s17 =	sld [smem:$0x11];
	(tm) =	ssettm $0x1  }
0xf: {  	s18 =	sld [smem:$0x3FFB];
	_ =	sdelay $0x3  }
0x10: {  	_ =	strace s18  }
0x11: {  	s3 =	sld [smem:$0x3FFC];
	_ =	sdelay $0x3  }
0x12: {  	_ =	strace s3  }
0x13: {  	s3 =	sld [smem:$0x3FFD];
	_ =	sdelay $0x3  }
0x14: {  	_ =	strace s3  }
0x15: {  	_ =	strace $0x8FFFFFFF  }
0x16: {  	s19 =	sld [smem:$0x3FDB];
	_ =	sdelay $0x1  }
0x17: {  	s20 =	simm.s32 $_scs_section_size  }
0x18: {  	s5 =	simm.s32 $_size__tile_overlayer_lowered;
	s6 =	simm.s32 $_tile_overlayer_lowered  }
0x19: {  	s23 =	simm.s32 $0x1BFF;
	s22 =	sshll.u32 s6, $0x1;
	s3 =	sadd.s32 s20, s19  }
0x1a: {  	s7 =	simm.s32 $0x0;
	s21 =	sshll.u32 s5, $0x1;
	s5 =	sadd.s32 s22, s3  }
0x1b: {  	[timem:s7], [sflag:s23] =	dma.local [hbm:s5], s21  }
0x1c: {  	_ =	swait.ge [sflag:s23], s21  }
0x1d: {  	s4 =	ssub.s32 $0x0, s21;
	[sflag:s23] =	ssyncset.done $0x0  }
0x1e: {  	[sflag:s23] =	ssyncadd.s32 s4;
	_ =	sdelay $0x1  }
0x1f: {  	s24 =	simm.s32 $0x1B8B  }
0x20: {  	_ =	swait.ge [sflag:s24], $0x1  }
0x21: {  	[sflag:s24] =	ssyncset.done $0x0  }
0x22: {  	s26 =	simm.s32 $0x1B8E;
	s25 =	sld [smem:$0x3FFE];
	[sflag:s24] =	ssyncadd.s32 $0xFFFFFFFF  }
0x23: {  	s27 =	simm.s32 $execute0_lowered;
	[smem:$0x3FD2] =	sst s26  }
0x24: {  	s5 =	sshll.u32 s27, $0x1;
	_ =	strace $0x80000049;
	[dreg:$0x1] =	wrdreg $0xFFFFFFFF  }
0x25: {  	s28 =	simm.s32 $_size_execute0_lowered;
	s3 =	sadd.s32 s3, s5;
	[dreg:$0x0] =	wrdreg $0x0  }
0x26: {  	s5 =	sshll.u32 s28, $0x1;
	[dreg:$0x2] =	wrdreg s3  }
0x27: {  	[dreg:$0x3] =	wrdreg s5  }
0x28: {  	[dreg:$0x4] =	wrdreg $0xC0  }
0x29: {  	_ =	task [dreg:s7], $0x5FFFF  }
0x2a: {  	[dreg:$0x1] =	wrdreg $0xFFFFFFFF  }
0x2b: {  	[dreg:$0x0] =	wrdreg $0x60  }
0x2c: {  	[dreg:$0x2] =	wrdreg s25  }
0x2d: {  	[dreg:$0x3] =	wrdreg s17  }
0x2e: {  	[dreg:$0x4] =	wrdreg $0x9  }
0x2f: {  	_ =	task.clear_ibuf [dreg:s7], $0x5FFFF;
	_ =	strace $0x90000049  }
0x30: {  	s29 =	simm.s32 $0x9;
	_ =	strace $0x8000004B  }
0x31: {  	_ =	swait.ge [sflag:s29], $0x1  }
0x32: {  	[sflag:s29] =	ssyncadd.s32 $0xFFFFFFFF  }
0x33: {  	_ =	strace $0x9000004B  }
0x34: {  	_ =	sfence  }
0x35: {  	s30 =	sld [smem:$0x0];
	_ =	sdelay $0x2  }
0x36: {  	s31 =	sshll.u32 s1, $0xD;
	s1 =	sshrl.u32 s1, $0x2  }
0x37: {  	s3 =	sand.u32 $0x4000, s31;
	s1 =	sadd.s32 s1, s30  }
0x38: {  	s0 =	sor.u32 s3, s0;
	s1 =	sshll.u32 s1, $0x11  }
0x39: {  	s0 =	sor.u32 s1, s0  }
0x3a: {  	s0 =	sadd.s32 $0x8F2B, s0  }
0x3b: {  	[sflag:s0] =	ssyncadd.remote.s32 $0x1  }
0x3c: {  	_ =	sfence.sel $0xFFFF  }
0x3d: {  	[dreg:$0x0] =	wrdreg $0xFFFFFFFF;
	(pc) =	sbr.abs _section_cstart, $3  }
0x3e: {  	[dreg:$0x1] =	wrdreg $0xFFFFFFFF  }
0x3f: {  	_ =	task.clear_ibuf [dreg:s7], $0x2FFFF;
	_ =	strace $0x9FFFFFFF  }
0x40: {  	(tm) =	ssettm $0x7FFFFFFF  }
0x41: {  	_ =	shalt  }
tec
execute0_lowered:
.L_overlay_start_1:
0x0: {  	(tag) =	ssettag $0x1  }
0x1: {  	s0 =	stileid.u32;
	s4 =	rddreg [dreg:$0x0]  }
0x2: {  	s1 =	srdreg.scid;
	s3 =	rddreg [dreg:$0x1];
	s7 =	simm.s32 $0x1  }
0x3: {  	s31 =	simm.s32 $0x2;
	s17 =	simm.s32 $0x0;
	s9 =	simm.s32 $0x20000  }
0x4: {  	s18 =	simm.s32 $0x0;
	s2 =	sshll.u32 s0, $0x5;
	s1 =	sshll.u32 s1, $0x9  }
0x5: {  	s19 =	simm.s32 $0x0;
	s10 =	simm.s32 $0x0;
	s1 =	sor.u32 s2, s1  }
0x6: {  	s11 =	simm.s32 $0x0;
	s12 =	simm.s32 $0x0;
	s2 =	sand.u32 $0x380, s1  }
0x7: {  	s13 =	simm.s32 $0x0;
	s16 =	simm.s32 $0x0;
	s5 =	ssub.s32 $0x1000, s2  }
0x8: {  	s4 =	sadd.s32 $0x840E00, s4;
	s1 =	rddreg [dreg:$0x2];
	s6 =	sand.u32 $0x380, s5  }
.Ltmp0:
0x9: {  	_ =	strace $0x8000004A;
	p0 =	sne.s32 s6, $0x0;
	(pc) =	sbr.rel .LBB1_1-.Ltmp0, $4  }
0xa: {  	s14 =	smov.u32 s2;
	s8 =	sshrl.u32 s5, $0xA;
	s7 =	simm.s32 @!p0 $0x0  }
0xb: {  	s5 =	sand.u32 $0x3, s0;
	s6 =	simm.s32 $0x1;
	s7 =	sadd.s32 s7, s8  }
0xc: {  	s15 =	smov.u32 s5;
	[sflag:s6] =	ssyncpa.u1 $0x0;
	s7 =	sshll.u32 s7, $0x5  }
0xd: {  	p0 =	por $0x0, $0x0;
	[sflag:s31] =	ssyncpa.u1 $0x0;
	s8 =	sor.u32 $0x1, s7  }
.LBB1_4:
0xe: {  	s25 =	sshll.u32 s10, $0xC;
	s24 =	sshra.s32 s24, $0x2;
	s26 =	sshll.u32 s11, $0x3  }
0xf: {  	p1 =	sgt.s32 s12, $0x3;
	s27 =	smov.u32 s12;
	s28 =	sshra.s32 s12, $0x1F  }
0x10: {  	p2 =	sgt.s32 s11, $0xF80;
	s30 =	sshra.s32 s11, $0x1F;
	s25 =	sand.u32 $0x18000, s25  }
0x11: {  	s29 =	sand.u32 $0x1FC00, s26;
	s27 =	simm.s32 @!p1 $0x3;
	s28 =	sand.u32 s28, s12  }
0x12: {  	s23 =	sadd.s32 s24, s23;
	s31 =	sand.u32 s30, s11;
	s30 =	sshra.s32 s10, $0x1F  }
0x13: {  	s26 =	sand.u32 $0xC00, s26;
	s24 =	sadd.s32 s29, s25;
	s25 =	ssub.s32 s27, s28  }
0x14: {  	s28 =	smov.u32 s11;
	s29 =	smov.u32 s10;
	s27 =	sadd.s32 $0xFFFFFFFD, s25  }
0x15: {  	v5 =	vld [tilespmem:s21+$0xFFFFFFD0];
	[tilespmem:s22+$0x2040 ss:$0x81] =	vst.msk $0xffff, v4;
	s28 =	simm.s32 @!p2 $0xF80;
	p2 =	sgt.s32 s10, $0x1F;
	s25 =	ssub.s32 $0x4, s25  }
0x16: {  	v58 =	vld [tilespmem:s21+$0xFFFFFFE0];
	[tilespmem:s22+$0x2850 ss:$0x81] =	vst.msk $0xffff, v3;
	s24 =	sshrl.u32 s24, $0x3;
	p1 =	sgt.s32 s27, $0x0;
	s27 =	ssub.s32 s28, s31  }
0x17: {  	v59 =	vld [tilespmem:s21+$0xFFFFFFF0];
	[tilespmem:s22+$0x3060 ss:$0x81] =	vst.msk $0xffff, v2;
	s29 =	simm.s32 @!p2 $0x1F;
	s28 =	sand.u32 s30, s10;
	s25 =	smul.u32 $0x60, s25  }
0x18: {  	[tilespmem:s22+$0x0 ss:$0x81] =	vst.msk $0xffff, v1;
	v60 =	vld [tilespmem:s21+$0x0];
	s24 =	sand.u32 $0x3E00, s24;
	s28 =	ssub.s32 s29, s28;
	s31 =	sadd.s32 $0xFFFFF080, s27  }
0x19: {  	v61 =	vld [tilespmem:s21+$0x10];
	[tilespmem:s23+$0x3870 ss:$0x81] =	vst.msk $0xffff, v0;
	s27 =	ssub.s32 $0x1000, s27;
	s29 =	sshll.u32 s10, $0x7;
	p2 =	sgt.s32 s31, $0x7F  }
0x1a: {  	v62 =	vld [tilespmem:s21+$0x20];
	[tilespmem:s23+$0x810 ss:$0x81] =	vst.msk $0xffff, v5;
	s30 =	sadd.s32 $0xFFFFFFE1, s28;
	s25 =	simm.s32 @p1 $0x0;
	s31 =	sand.u32 $0x78, s11  }
0x1b: {  	v63 =	vld [tilespmem:s21+$0xFFFFFFC0];
	[tilespmem:s23+$0x1020 ss:$0x81] =	vst.msk $0xffff, v58;
	s27 =	simm.s32 @p2 $0x0;
	s22 =	sor.u32 s31, s26;
	s31 =	smul.u32 $0x180000, s12  }
0x1c: {  	[tilespmem:s23+$0x1830 ss:$0x81] =	vst.msk $0xffff, v59;
	p1 =	sgt.s32 s30, $0x0;
	s25 =	smul.u32 s25, s27;
	s27 =	ssub.s32 $0x20, s28  }
0x1d: {  	[tilespmem:s23+$0x2040 ss:$0x81] =	vst.msk $0xffff, v60;
	s30 =	sand.u32 $0x380, s29;
	s29 =	sand.u32 $0x7, s11;
	s27 =	simm.s32 @p1 $0x0  }
0x1e: {  	[tilespmem:s23+$0x2850 ss:$0x81] =	vst.msk $0xffff, v61;
	s21 =	sor.u32 s30, s22;
	s28 =	sadd.s32 s3, s31;
	s27 =	smul.u32 s27, s25  }
0x1f: {  	[tilespmem:s23+$0x3060 ss:$0x81] =	vst.msk $0xffff, v62;
	s30 =	sshll.u32 s29, $0x12;
	s21 =	sshrl.u32 s21, $0x3;
	s24 =	sadd.s32 s24, s28  }
0x20: {  	[tilespmem:s23+$0x0 ss:$0x81] =	vst.msk $0xffff, v63;
	s31 =	sor.u32 $0x80, s30;
	s21 =	sadd.s32 s21, s24;
	s22 =	sand.u32 $0x3FFFFFE0, s27  }
0x21: {  	[hbm4b:s21+s31] =	stream.strided.scatter [tilespmem:s20], [sflag:$0x2], s22, s9, s31, $0x20;
	[tilespmem:$0x10100] =	vst v63  }
.LBB1_5:
0x22: {  	p1 =	slt.u32 s16, $0x2  }
0x23: {  	p2 =	sgt.s32 @!p1 s19, $0x3  }
0x24: {  	s20 =	smov.u32 s19;
	s21 =	sshra.s32 @!p1 s19, $0x1F;
	p2 =	por !p2, p1  }
0x25: {  	p3 =	sgt.s32 @!p1 s18, $0xF80;
	s19 =	sand.u32 @!p1 s21, s19;
	s20 =	simm.s32 @p2 $0x3  }
0x26: {  	p3 =	por !p3, p1;
	s19 =	ssub.s32 @!p1 s20, s19  }
0x27: {  	s21 =	sshra.s32 @!p1 s18, $0x1F;
	s20 =	sadd.s32 @!p1 $0xFFFFFFFD, s19;
	s19 =	ssub.s32 @!p1 $0x4, s19  }
0x28: {  	p2 =	sgt.s32 @!p1 s20, $0x0;
	s19 =	smul.u32 @!p1 $0x60, s19;
	s20 =	smov.u32 s18  }
0x29: {  	s18 =	sand.u32 @!p1 s21, s18;
	s20 =	simm.s32 @p3 $0xF80;
	p3 =	sgt.s32 @!p1 s17, $0x1F  }
0x2a: {  	s21 =	smov.u32 s17;
	p2 =	por !p2, p1;
	p3 =	por !p3, p1  }
0x2b: {  	s18 =	ssub.s32 @!p1 s20, s18;
	s20 =	sshra.s32 @!p1 s17, $0x1F;
	s19 =	simm.s32 @!p2 $0x0  }
0x2c: {  	s21 =	simm.s32 @p3 $0x1F;
	s17 =	sand.u32 @!p1 s20, s17;
	s20 =	sadd.s32 @!p1 $0xFFFFF080, s18  }
0x2d: {  	s18 =	ssub.s32 @!p1 $0x1000, s18;
	s17 =	ssub.s32 @!p1 s21, s17;
	p2 =	sgt.s32 @!p1 s20, $0x7F  }
0x2e: {  	s21 =	smov.u32 s14;
	s20 =	sadd.s32 @!p1 $0xFFFFFFE1, s17;
	p2 =	por !p2, p1  }
0x2f: {  	s17 =	ssub.s32 @!p1 $0x20, s17;
	p3 =	sgt.s32 @!p1 s20, $0x0;
	s18 =	simm.s32 @!p2 $0x0  }
0x30: {  	s20 =	sadd.s32 $0x1, s13;
	p2 =	por !p3, p1;
	s18 =	smul.u32 @!p1 s19, s18  }
0x31: {  	s19 =	sadd.s32 $0x400, s14;
	s17 =	simm.s32 @!p2 $0x0;
	p2 =	sgt.s32 s20, $0x1F  }
0x32: {  	s22 =	smov.u32 s15;
	s21 =	smov.u32 @p2 s19  }
0x33: {  	s17 =	smul.u32 @!p1 s17, s18;
	s18 =	sadd.s32 $0x4, s15;
	p3 =	sgt.s32 s21, $0xFFF  }
0x34: {  	p0 =	por !p0, !p0;
	s23 =	simm.s32 @!p1 $0x2;
	s22 =	smov.u32 @p3 s18  }
0x35: {  	s20 =	simm.s32 @p2 $0x0;
	s19 =	smov.u32 s12;
	p2 =	sgt.s32 s22, $0x3  }
0x36: {  	s12 =	smov.u32 s15;
	s22 =	smov.u32 @p2 s5;
	p2 =	sne.s32 s16, s8  }
.Ltmp1:
0x37: {  	s17 =	sand.u32 @!p1 $0x3FFFFFE0, s17;
	s21 =	smov.u32 @p3 s2;
	(pc) =	sbr.rel @!p2 .LBB1_6-.Ltmp1, $4  }
0x38: {  	s18 =	smov.u32 s11;
	s11 =	smov.u32 s14;
	_ =	swait.ge @!p1 [sflag:s23], s17  }
0x39: {  	s24 =	ssub.s32 @!p1 $0x0, s17;
	s17 =	smov.u32 s10;
	s10 =	smov.u32 s13  }
0x3a: {  	s13 =	smov.u32 s20;
	s14 =	smov.u32 s21;
	[sflag:s23] =	ssyncset.done @!p1 $0x0  }
0x3b: {  	s16 =	sadd.s32 $0x1, s16;
	[sflag:s23] =	ssyncadd.s32 @!p1 s24;
	s15 =	smov.u32 s22  }
.LBB1_1:
0x3c: {  	p1 =	sge.u32 s16, s7;
	s31 =	sadd.s32 $0xFFFFFFFF, s16  }
0x3d: {  	s20 =	sxor.u32 @!p1 $0xFFFFFFFF, s16;
	s21 =	sshll.u32 @!p1 s15, $0x15;
	s22 =	sshll.u32 @!p1 s14, $0x9  }
0x3e: {  	s23 =	sshll.u32 @!p1 s13, $0x4;
	s20 =	sshll.u32 @!p1 s20, $0xE;
	s21 =	sadd.s32 @!p1 s4, s21  }
0x3f: {  	s23 =	sand.u32 @!p1 $0x1F0, s23;
	s20 =	sand.u32 @!p1 $0x4000, s20;
	s21 =	sadd.s32 @!p1 s22, s21  }
0x40: {  	s22 =	simm.s32 @!p1 $0x80;
	s21 =	sadd.s32 @!p1 s23, s21;
	s23 =	simm.s32 @!p1 $0x1000  }
0x41: {  	[tilespmem:s20], [sflag:$0x1] =	stream.strided.gather @!p1 [hbm4b:s21+s22], $0x4000, s23, s22, $0x38;
	[tilespmem:$0x10100] =	vst v63  }
0x42: {  	p1 =	sge.u32 s31, s7  }
.Ltmp2:
0x43: {  	_ = 	snop;
	(pc) =	sbr.rel @p1 .LBB1_5-.Ltmp2, $1  }
0x44: {  	_ =	sdelay $0x3  }
0x45: {  	s20 =	simm.s32 $0x1  }
0x46: {  	_ =	swait.ge [sflag:s6], $0x4000;
	s20 =	simm.s32 @!p0 $0x0  }
0x47: {  	[sflag:s6] =	ssyncset.done $0x0;
	s21 =	sshll.u32 s20, $0xE  }
0x48: {  	[sflag:s6] =	ssyncadd.s32 $0xFFFFC000;
	s21 =	sor.u32 $0x40, s21  }
0x49: {  	s20 =	smul.u32 $0x10200, s20;
	v0 =	vld [tilespmem:s21+$0x30]  }
0x4a: {  	v1 =	vld [tilespmem:s21+$0xFFFFFFD0]  }
0x4b: {  	s20 =	sshrl.u32 s20, $0x2;
	v5 =	vld [tilespmem:s21+$0xFFFFFFE0]  }
0x4c: {  	v6 =	vld [tilespmem:s21+$0xFFFFFFF0];
	s23 =	sor.u32 $0x8000, s20  }
0x4d: {  	s31 =	sand.u32 $0x1, s16;
	v4 =	vld [tilespmem:s21+$0x0];
	s22 =	sadd.s32 $0x0, s23  }
0x4e: {  	v3 =	vld [tilespmem:s21+$0x10];
	s20 =	smul.u32 $0x10200, s31;
	[tilespmem:s22+$0x3870 ss:$0x81] =	vst.msk $0xffff, v0  }
0x4f: {  	v2 =	vld [tilespmem:s21+$0x20];
	[tilespmem:s22+$0x810 ss:$0x81] =	vst.msk $0xffff, v1  }
0x50: {  	s20 =	sshrl.u32 s20, $0x2;
	v1 =	vld [tilespmem:s21+$0xFFFFFFC0];
	[tilespmem:s22+$0x1020 ss:$0x81] =	vst.msk $0xffff, v5;
	s21 =	sadd.s32 $0x80, s21  }
0x51: {  	s24 =	simm.s32 $0x4;
	s25 =	simm.s32 $0x8;
	s20 =	sor.u32 $0x8000, s20;
	[tilespmem:s22+$0x1830 ss:$0x81] =	vst.msk $0xffff, v6;
	v0 =	vld [tilespmem:s21+$0x30]  }
.LBB1_3:
0x52: {  	p1 =	sne.s32 s25, $0x1FC;
	v5 =	vld [tilespmem:s21+$0xFFFFFFD0];
	[tilespmem:s22+$0x2040 ss:$0x81] =	vst.msk $0xffff, v4  }
0x53: {  	v6 =	vld [tilespmem:s21+$0xFFFFFFE0];
	[tilespmem:s22+$0x2850 ss:$0x81] =	vst.msk $0xffff, v3  }
0x54: {  	s26 =	sshra.s32 s24, $0x2;
	s24 =	smov.u32 s25;
	v7 =	vld [tilespmem:s21+$0xFFFFFFF0];
	[tilespmem:s22+$0x3060 ss:$0x81] =	vst.msk $0xffff, v2  }
.Ltmp3:
0x55: {  	v4 =	vld [tilespmem:s21+$0x0];
	[tilespmem:s22+$0x0 ss:$0x81] =	vst.msk $0xffff, v1;
	s22 =	sadd.s32 s26, s23;
	(pc) =	sbr.rel @p1 .LBB1_3-.Ltmp3, $4  }
0x56: {  	v3 =	vld [tilespmem:s21+$0x10];
	[tilespmem:s22+$0x3870 ss:$0x81] =	vst.msk $0xffff, v0  }
0x57: {  	[tilespmem:s22+$0x810 ss:$0x81] =	vst.msk $0xffff, v5;
	v2 =	vld [tilespmem:s21+$0x20]  }
0x58: {  	v1 =	vld [tilespmem:s21+$0xFFFFFFC0];
	[tilespmem:s22+$0x1020 ss:$0x81] =	vst.msk $0xffff, v6;
	s21 =	sadd.s32 $0x80, s21  }
0x59: {  	s25 =	sadd.s32 $0x4, s25;
	v0 =	vld [tilespmem:s21+$0x30];
	[tilespmem:s22+$0x1830 ss:$0x81] =	vst.msk $0xffff, v7  }
.Ltmp4:
0x5a: {  	_ = 	snop;
	(pc) =	sbr.rel .LBB1_4-.Ltmp4, $1  }
0x5b: {  	_ =	sdelay $0x3  }
.LBB1_6:
0x5c: {  	_ =	sfence.sel $0x180000  }
0x5d: {  	s2 =	simm.s32 $0x1;
	[bflag:$0x0] =	sbarrier.arrive $0xFFFF  }
0x5e: {  	s31 =	simm.s32 $0x2;
	[sflag:s2] =	ssyncpa.u1 $0x1  }
0x5f: {  	[sflag:s31] =	ssyncpa.u1 $0x1  }
0x60: {  	p0 =	sne.s32 s0, $0x0;
	_ =	strace $0x9000004A  }
0x61: {  	s0 =	sadd.s32 @!p0 $0x100000, s1;
	[bflag:$0x2] =	sbarrier.arrive $0xFFFF  }
0x62: {  	[sflag:s0] =	ssyncadd.tile.s32 @!p0 $0x1;
	_ =	shalt  }
.Lfunc_end1:
_tile_overlayer_lowered:
.L_overlay_start_2:
0x63: {  	(tag) =	ssettag $0x2  }
0x64: {  	s0 =	rddreg [dreg:$0x0];
	s2 =	stileid.u32  }
0x65: {  	s1 =	rddreg [dreg:$0x1];
	p0 =	sne.s32 s2, $0x0  }
0x66: {  	s3 =	rddreg [dreg:$0x2];
	[bflag:$0x3] =	sbarrier.arrive $0xFFFF;
	s2 =	simm.s32 @!p0 $0x1C01  }
0x67: {  	[timem:s3], [sflag:s2] =	dma.local @!p0 [hbm:s0], s1  }
0x68: {  	s0 =	simm.s32 @!p0 $0x1  }
0x69: {  	_ =	swait.ge @!p0 [sflag:s0], s1  }
0x6a: {  	s1 =	ssub.s32 @!p0 $0x0, s1;
	[sflag:s0] =	ssyncset.done @!p0 $0x0  }
0x6b: {  	[sflag:s0] =	ssyncadd.s32 @!p0 s1  }
0x6c: {  	[bflag:$0x3] =	sbarrier.arrive $0xFFFF  }
0x6d: {  	_ =	shalt  }

</sc_bundles>
